<compile_context>
chip_gen: v7x
topology: tpu7x:2x2x1
jax: 0.10.2.dev20260603
libtpu: 0.0.44.dev20260713+nightly
codegen_flags: <defaults>
</compile_context>

<pallas_src>
import functools

import jax
import jax.numpy as jnp
from jax import lax
from jax.experimental import pallas as pl
from jax.experimental.pallas import tpu as pltpu
from jax.experimental.pallas import tpu_sc as plsc

N, C, H, W = 4, 96, 224, 224
HW = H * W

NUM_CORES = 2
NUM_SUBCORES = 16
NWORK = NUM_CORES * NUM_SUBCORES
TILES_PER_BATCH = NWORK // N
C_PER_TILE = C // TILES_PER_BATCH
PAIRS = C_PER_TILE // 2

RPC = 8
CHUNK = RPC * W
NCHUNK = H // RPC
KITER = NCHUNK // 2

_mesh = plsc.VectorSubcoreMesh(
    core_axis_name="c", subcore_axis_name="s",
    num_cores=NUM_CORES, num_subcores=NUM_SUBCORES)


@functools.partial(
    pl.kernel,
    out_type=jax.ShapeDtypeStruct((N * C, H, W), jnp.float32),
    mesh=_mesh,
    compiler_params=pltpu.CompilerParams(needs_layout_passes=False),
    scratch_types=[
        pltpu.VMEM((H, W), jnp.float32),
        pltpu.VMEM((H, W), jnp.float32),
        pltpu.VMEM((CHUNK,), jnp.float32),
        pltpu.VMEM((CHUNK,), jnp.float32),
        pltpu.VMEM((CHUNK,), jnp.float32),
        pltpu.VMEM((CHUNK,), jnp.float32),
        pltpu.VMEM((RPC, W), jnp.float32),
        pltpu.VMEM((RPC, W), jnp.float32),
        pltpu.VMEM((RPC, W), jnp.float32),
        pltpu.VMEM((RPC, W), jnp.float32),
        pltpu.SemaphoreType.DMA,
        pltpu.SemaphoreType.DMA,
        pltpu.SemaphoreType.DMA,
        pltpu.SemaphoreType.DMA,
        pltpu.SemaphoreType.DMA,
    ],
)
def _grid_sample_sc(inp, gx, gy, out, plane_a, plane_b,
                    gxv0, gxv1, gyv0, gyv1, oa0, oa1, ob0, ob1,
                    sem_pl, sem_in0, sem_in1, sem_out0, sem_out1):
    gxv = (gxv0, gxv1)
    gyv = (gyv0, gyv1)
    oa = (oa0, oa1)
    ob = (ob0, ob1)
    wid = lax.axis_index("s") * NUM_CORES + lax.axis_index("c")
    n = wid // TILES_PER_BATCH
    c_base = (wid % TILES_PER_BATCH) * C_PER_TILE
    sem_in = (sem_in0, sem_in1)
    sem_out = (sem_out0, sem_out1)

    def pair_body(p, _):
        row = n * C + c_base + 2 * p
        pa_d = pltpu.async_copy(inp.at[row], plane_a, sem_pl)
        pb_d = pltpu.async_copy(inp.at[row + 1], plane_b, sem_pl)
        for b in (0, 1):
            pltpu.async_copy(gx.at[pl.ds(n * HW + b * CHUNK, CHUNK)],
                             gxv[b], sem_in[b])
            pltpu.async_copy(gy.at[pl.ds(n * HW + b * CHUNK, CHUNK)],
                             gyv[b], sem_in[b])
        pa_d.wait()
        pb_d.wait()

        def kbody(k, _):
            for b in (0, 1):
                i = 2 * k + b
                off = n * HW + i * CHUNK
                r0 = i * RPC
                gxb, gyb = gxv[b], gyv[b]
                oab, obb = oa[b], ob[b]
                pltpu.make_async_copy(
                    gx.at[pl.ds(off, CHUNK)], gxb, sem_in[b]).wait()
                pltpu.make_async_copy(
                    gy.at[pl.ds(off, CHUNK)], gyb, sem_in[b]).wait()

                @pl.when(k >= 1)
                def _():
                    pltpu.make_async_copy(
                        oab, out.at[row, pl.ds(r0, RPC)], sem_out[b]).wait()
                    pltpu.make_async_copy(
                        obb, out.at[row + 1, pl.ds(r0, RPC)],
                        sem_out[b]).wait()

                @plsc.parallel_loop(0, RPC * (W // 16), step=1, unroll=4)
                def grp(j):
                    r = jnp.bitwise_and(j, RPC - 1)
                    x = jnp.left_shift(jnp.right_shift(j, 3), 4)
                    s = pl.ds(r * W + x, 16)
                    ix = (gxb[s] + 1.0) * ((W - 1) * 0.5)
                    iy = (gyb[s] + 1.0) * ((H - 1) * 0.5)
                    ix0 = jnp.maximum(
                        jnp.minimum(ix.astype(jnp.int32), W - 2), 0)
                    iy0 = jnp.maximum(
                        jnp.minimum(iy.astype(jnp.int32), H - 2), 0)
                    fx = ix - ix0.astype(jnp.float32)
                    fy = iy - iy0.astype(jnp.float32)
                    w11 = fx * fy
                    w10 = fy - w11
                    w01 = fx - w11
                    w00 = (1.0 - fx) - w10
                    ix1 = ix0 + 1
                    iy1 = iy0 + 1
                    for plane, ov in ((plane_a, oab), (plane_b, obb)):
                        v00 = plsc.load_gather(plane, [iy0, ix0])
                        v01 = plsc.load_gather(plane, [iy0, ix1])
                        v10 = plsc.load_gather(plane, [iy1, ix0])
                        v11 = plsc.load_gather(plane, [iy1, ix1])
                        ov[r, pl.ds(x, 16)] = (w00 * v00 + w01 * v01
                                               + w10 * v10 + w11 * v11)

                pltpu.async_copy(oab, out.at[row, pl.ds(r0, RPC)],
                                 sem_out[b])
                pltpu.async_copy(obb, out.at[row + 1, pl.ds(r0, RPC)],
                                 sem_out[b])

                @pl.when(k < KITER - 1)
                def _():
                    off2 = off + 2 * CHUNK
                    pltpu.async_copy(gx.at[pl.ds(off2, CHUNK)],
                                     gxb, sem_in[b])
                    pltpu.async_copy(gy.at[pl.ds(off2, CHUNK)],
                                     gyb, sem_in[b])
            return 0

        lax.fori_loop(0, KITER, kbody, 0)
        for b in (0, 1):
            r0 = (NCHUNK - 2 + b) * RPC
            pltpu.make_async_copy(
                oa[b], out.at[row, pl.ds(r0, RPC)], sem_out[b]).wait()
            pltpu.make_async_copy(
                ob[b], out.at[row + 1, pl.ds(r0, RPC)],
                sem_out[b]).wait()
        return 0

    lax.fori_loop(0, PAIRS, pair_body, 0)


def kernel(input, grid):
    inp = input.reshape(N * C, H, W)
    gx = grid[..., 0].reshape(N * HW)
    gy = grid[..., 1].reshape(N * HW)
    out = _grid_sample_sc(inp, gx, gy)
    return out.reshape(N, C, H, W)

# --- scband reference (transcript-rebuilt; emitter-appended) ---
"""Pipeline reference for scband-grid-sampler-operator-38001870635898 (READ-ONLY COPY).

The authoritative reference and input builder live on the scoring server;
editing this copy changes nothing except your own understanding.
"""

import jax, jax.numpy as jnp
import numpy as np


def _grid_sample_bilinear_zeros_ac(inp, grid):
    # Faithful jax translation of F.grid_sample(mode='bilinear', padding_mode='zeros', align_corners=True)
    N, C, H, W = inp.shape
    Ho, Wo = grid.shape[1], grid.shape[2]
    gx = grid[..., 0]
    gy = grid[..., 1]
    # align_corners=True mapping: [-1,1] -> [0, size-1]
    ix = (gx + 1.0) * (W - 1) / 2.0
    iy = (gy + 1.0) * (H - 1) / 2.0
    ix0 = jnp.floor(ix)
    iy0 = jnp.floor(iy)
    ix1 = ix0 + 1.0
    iy1 = iy0 + 1.0
    wx1 = ix - ix0
    wx0 = 1.0 - wx1
    wy1 = iy - iy0
    wy0 = 1.0 - wy1
    flat = inp.reshape(N, C, H * W)

    def corner(yf, xf, w):
        valid = (xf >= 0) & (xf <= W - 1) & (yf >= 0) & (yf <= H - 1)
        yc = jnp.clip(yf.astype(jnp.int32), 0, H - 1)
        xc = jnp.clip(xf.astype(jnp.int32), 0, W - 1)
        idx = (yc * W + xc).reshape(N, 1, Ho * Wo)
        vals = jnp.take_along_axis(flat, jnp.broadcast_to(idx, (N, C, Ho * Wo)), axis=2)
        wm = (w * valid.astype(inp.dtype)).reshape(N, 1, Ho * Wo)
        return vals * wm

    out = (corner(iy0, ix0, wy0 * wx0)
           + corner(iy0, ix1, wy0 * wx1)
           + corner(iy1, ix0, wy1 * wx0)
           + corner(iy1, ix1, wy1 * wx1))
    return out.reshape(N, C, Ho, Wo)


def setup_inputs(seed: int = 0) -> dict:
    key = jax.random.key(seed)
    k1, k2 = jax.random.split(key)
    inp = jax.random.normal(k1, (4, 96, 224, 224), dtype=jnp.float32)
    grid = jax.random.uniform(k2, (4, 224, 224, 2), dtype=jnp.float32, minval=-1.0, maxval=1.0)
    return {"input": inp, "grid": grid}


def reference(input, grid):
    return _grid_sample_bilinear_zeros_ac(input, grid)

if __name__ == "__main__":
    import jax
    _d = setup_inputs()
    print(jax.jit(kernel)(*tuple(_d.values())))

</pallas_src>

<mosaic_0001>
#map = affine_map<(d0, d1) -> (0, 0, 0)>
#map1 = affine_map<(d0, d1) -> (0)>
module attributes {stable_mosaic.version = 14 : i64} {
  func.func @_grid_sample_sc(%arg0: i32, %arg1: i32, %arg2: memref<384x224x224xf32, #tpu.memory_space<hbm>>, %arg3: memref<200704xf32, #tpu.memory_space<hbm>>, %arg4: memref<200704xf32, #tpu.memory_space<hbm>>, %arg5: memref<384x224x224xf32, #tpu.memory_space<hbm>>, %arg6: memref<224x224xf32, #tpu.memory_space<vmem>>, %arg7: memref<224x224xf32, #tpu.memory_space<vmem>>, %arg8: memref<1792xf32, #tpu.memory_space<vmem>>, %arg9: memref<1792xf32, #tpu.memory_space<vmem>>, %arg10: memref<1792xf32, #tpu.memory_space<vmem>>, %arg11: memref<1792xf32, #tpu.memory_space<vmem>>, %arg12: memref<8x224xf32, #tpu.memory_space<vmem>>, %arg13: memref<8x224xf32, #tpu.memory_space<vmem>>, %arg14: memref<8x224xf32, #tpu.memory_space<vmem>>, %arg15: memref<8x224xf32, #tpu.memory_space<vmem>>, %arg16: memref<!tpu.dma_semaphore, #tpu.memory_space<semaphore_mem>>, %arg17: memref<!tpu.dma_semaphore, #tpu.memory_space<semaphore_mem>>, %arg18: memref<!tpu.dma_semaphore, #tpu.memory_space<semaphore_mem>>, %arg19: memref<!tpu.dma_semaphore, #tpu.memory_space<semaphore_mem>>, %arg20: memref<!tpu.dma_semaphore, #tpu.memory_space<semaphore_mem>>) attributes {dimension_semantics = [#tpu.dimension_semantics<core_parallel>, #tpu.dimension_semantics<subcore_parallel>], iteration_bounds = array<i64: 2, 16>, scalar_prefetch = 0 : i64, scratch_operands = 15 : i64, tpu.core_type = #tpu.core_type<sc_vector_subcore>, window_params = [{transform_indices = #map}, {transform_indices = #map1}, {transform_indices = #map1}, {transform_indices = #map}]} {
    %mul3A = arith.constant 2 : i32
    %mul3A_0 = arith.muli %arg1, %mul3A : i32
    %add3A = arith.addi %mul3A_0, %arg0 : i32
    %jit3A = arith.constant 8 : i32
    %div3A = arith.divsi %add3A, %jit3A : i32
    %sign3A = arith.constant 0 : i32
    %sign3A_1 = arith.cmpi sgt, %add3A, %sign3A : i32
    %sign3A_2 = arith.extui %sign3A_1 : i1 to i32
    %sign3A_3 = arith.constant 0 : i32
    %sign3A_4 = arith.cmpi slt, %add3A, %sign3A_3 : i32
    %sign3A_5 = arith.extui %sign3A_4 : i1 to i32
    %sign3A_6 = arith.subi %sign3A_2, %sign3A_5 : i32
    %sign3A_7 = arith.constant 0 : i32
    %sign3A_8 = arith.cmpi sgt, %jit3A, %sign3A_7 : i32
    %sign3A_9 = arith.extui %sign3A_8 : i1 to i32
    %sign3A_10 = arith.constant 0 : i32
    %sign3A_11 = arith.cmpi slt, %jit3A, %sign3A_10 : i32
    %sign3A_12 = arith.extui %sign3A_11 : i1 to i32
    %sign3A_13 = arith.subi %sign3A_9, %sign3A_12 : i32
    %ne3A = arith.cmpi ne, %sign3A_6, %sign3A_13 : i32
    %rem3A = arith.remsi %add3A, %jit3A : i32
    %ne3A_14 = arith.constant 0 : i32
    %ne3A_15 = arith.cmpi ne, %rem3A, %ne3A_14 : i32
    %and3A = arith.andi %ne3A, %ne3A_15 : i1
    %sub3A = arith.constant 1 : i32
    %sub3A_16 = arith.subi %div3A, %sub3A : i32
    %select_n3A = arith.select %and3A, %sub3A_16, %div3A : i32
    %jit3A_17 = arith.constant 8 : i32
    %eq3A = arith.constant 0 : i32
    %eq3A_18 = arith.cmpi eq, %jit3A_17, %eq3A : i32
    %jit3A_19 = arith.constant 1 : i32
    %select_n3A_20 = arith.select %eq3A_18, %jit3A_19, %jit3A_17 : i32
    %rem3A_21 = arith.remsi %add3A, %select_n3A_20 : i32
    %ne3A_22 = arith.constant 0 : i32
    %ne3A_23 = arith.cmpi ne, %rem3A_21, %ne3A_22 : i32
    %lt3A = arith.constant 0 : i32
    %lt3A_24 = arith.cmpi slt, %rem3A_21, %lt3A : i32
    %lt3A_25 = arith.constant 0 : i32
    %lt3A_26 = arith.cmpi slt, %select_n3A_20, %lt3A_25 : i32
    %ne3A_27 = arith.xori %lt3A_24, %lt3A_26 : i1
    %and3A_28 = arith.andi %ne3A_27, %ne3A_23 : i1
    %add3A_29 = arith.addi %rem3A_21, %select_n3A_20 : i32
    %select_n3A_30 = arith.select %and3A_28, %add3A_29, %rem3A_21 : i32
    %mul3A_31 = arith.constant 12 : i32
    %mul3A_32 = arith.muli %select_n3A_30, %mul3A_31 : i32
    %scan3A = arith.constant 0 : i32
    %scan3A_33 = arith.constant 0 : i32
    %scan3A_34 = arith.constant 6 : i32
    %scan3A_35 = arith.addi %scan3A_33, %scan3A_34 : i32
    %scan3A_36 = arith.constant 1 : i32
    %scan3A_37 = scf.for %scan3A_39 = %scan3A_33 to %scan3A_35 step %scan3A_36 iter_args(%scan3A_40 = %scan3A) -> (i32)  : i32 {
      %mul3A_41 = arith.constant 96 : i32
      %mul3A_42 = arith.muli %select_n3A, %mul3A_41 : i32
      %add3A_43 = arith.addi %mul3A_42, %mul3A_32 : i32
      %mul3A_44 = arith.constant 2 : i32
      %mul3A_45 = arith.muli %mul3A_44, %scan3A_39 : i32
      %add3A_46 = arith.addi %add3A_43, %mul3A_45 : i32
      %dma_start3A = arith.constant 0 : i32
      %dma_start3A_47 = arith.constant 0 : i32
      %dma_start3A_48 = tpu.memref_slice %arg2[%add3A_46, %dma_start3A, %dma_start3A_47] : memref<384x224x224xf32, #tpu.memory_space<hbm>> -> memref<1x224x224xf32, #tpu.memory_space<hbm>>
      %dma_start3A_49 = tpu.memref_squeeze %dma_start3A_48 : memref<1x224x224xf32, #tpu.memory_space<hbm>> -> memref<224x224xf32, #tpu.memory_space<hbm>>
      %dma_start3A_50 = arith.constant 0 : i32
      %dma_start3A_51 = arith.constant 0 : i32
      %dma_start3A_52 = tpu.memref_slice %arg2[%add3A_46, %dma_start3A_50, %dma_start3A_51] : memref<384x224x224xf32, #tpu.memory_space<hbm>> -> memref<1x224x224xf32, #tpu.memory_space<hbm>>
      %dma_start3A_53 = tpu.memref_squeeze %dma_start3A_52 : memref<1x224x224xf32, #tpu.memory_space<hbm>> -> memref<224x224xf32, #tpu.memory_space<hbm>>
      tpu.enqueue_dma source(%dma_start3A_53 : memref<224x224xf32, #tpu.memory_space<hbm>>) target(%arg6 : memref<224x224xf32, #tpu.memory_space<vmem>>) target_semaphore(%arg16 : memref<!tpu.dma_semaphore, #tpu.memory_space<semaphore_mem>>)
      %add3A_54 = arith.constant 1 : i32
      %add3A_55 = arith.addi %add3A_46, %add3A_54 : i32
      %dma_start3A_56 = arith.constant 0 : i32
      %dma_start3A_57 = arith.constant 0 : i32
      %dma_start3A_58 = tpu.memref_slice %arg2[%add3A_55, %dma_start3A_56, %dma_start3A_57] : memref<384x224x224xf32, #tpu.memory_space<hbm>> -> memref<1x224x224xf32, #tpu.memory_space<hbm>>
      %dma_start3A_59 = tpu.memref_squeeze %dma_start3A_58 : memref<1x224x224xf32, #tpu.memory_space<hbm>> -> memref<224x224xf32, #tpu.memory_space<hbm>>
      %dma_start3A_60 = arith.constant 0 : i32
      %dma_start3A_61 = arith.constant 0 : i32
      %dma_start3A_62 = tpu.memref_slice %arg2[%add3A_55, %dma_start3A_60, %dma_start3A_61] : memref<384x224x224xf32, #tpu.memory_space<hbm>> -> memref<1x224x224xf32, #tpu.memory_space<hbm>>
      %dma_start3A_63 = tpu.memref_squeeze %dma_start3A_62 : memref<1x224x224xf32, #tpu.memory_space<hbm>> -> memref<224x224xf32, #tpu.memory_space<hbm>>
      tpu.enqueue_dma source(%dma_start3A_63 : memref<224x224xf32, #tpu.memory_space<hbm>>) target(%arg7 : memref<224x224xf32, #tpu.memory_space<vmem>>) target_semaphore(%arg16 : memref<!tpu.dma_semaphore, #tpu.memory_space<semaphore_mem>>)
      %mul3A_64 = arith.constant 50176 : i32
      %mul3A_65 = arith.muli %select_n3A, %mul3A_64 : i32
      %add3A_66 = arith.constant 0 : i32
      %add3A_67 = arith.addi %mul3A_65, %add3A_66 : i32
      %dma_start3A_68 = tpu.memref_slice %arg3[%add3A_67] : memref<200704xf32, #tpu.memory_space<hbm>> -> memref<1792xf32, #tpu.memory_space<hbm>>
      %dma_start3A_69 = tpu.memref_slice %arg3[%add3A_67] : memref<200704xf32, #tpu.memory_space<hbm>> -> memref<1792xf32, #tpu.memory_space<hbm>>
      tpu.enqueue_dma source(%dma_start3A_69 : memref<1792xf32, #tpu.memory_space<hbm>>) target(%arg8 : memref<1792xf32, #tpu.memory_space<vmem>>) target_semaphore(%arg17 : memref<!tpu.dma_semaphore, #tpu.memory_space<semaphore_mem>>)
      %mul3A_70 = arith.constant 50176 : i32
      %mul3A_71 = arith.muli %select_n3A, %mul3A_70 : i32
      %add3A_72 = arith.constant 0 : i32
      %add3A_73 = arith.addi %mul3A_71, %add3A_72 : i32
      %dma_start3A_74 = tpu.memref_slice %arg4[%add3A_73] : memref<200704xf32, #tpu.memory_space<hbm>> -> memref<1792xf32, #tpu.memory_space<hbm>>
      %dma_start3A_75 = tpu.memref_slice %arg4[%add3A_73] : memref<200704xf32, #tpu.memory_space<hbm>> -> memref<1792xf32, #tpu.memory_space<hbm>>
      tpu.enqueue_dma source(%dma_start3A_75 : memref<1792xf32, #tpu.memory_space<hbm>>) target(%arg10 : memref<1792xf32, #tpu.memory_space<vmem>>) target_semaphore(%arg17 : memref<!tpu.dma_semaphore, #tpu.memory_space<semaphore_mem>>)
      %mul3A_76 = arith.constant 50176 : i32
      %mul3A_77 = arith.muli %select_n3A, %mul3A_76 : i32
      %add3A_78 = arith.constant 1792 : i32
      %add3A_79 = arith.addi %mul3A_77, %add3A_78 : i32
      %dma_start3A_80 = tpu.memref_slice %arg3[%add3A_79] : memref<200704xf32, #tpu.memory_space<hbm>> -> memref<1792xf32, #tpu.memory_space<hbm>>
      %dma_start3A_81 = tpu.memref_slice %arg3[%add3A_79] : memref<200704xf32, #tpu.memory_space<hbm>> -> memref<1792xf32, #tpu.memory_space<hbm>>
      tpu.enqueue_dma source(%dma_start3A_81 : memref<1792xf32, #tpu.memory_space<hbm>>) target(%arg9 : memref<1792xf32, #tpu.memory_space<vmem>>) target_semaphore(%arg18 : memref<!tpu.dma_semaphore, #tpu.memory_space<semaphore_mem>>)
      %mul3A_82 = arith.constant 50176 : i32
      %mul3A_83 = arith.muli %select_n3A, %mul3A_82 : i32
      %add3A_84 = arith.constant 1792 : i32
      %add3A_85 = arith.addi %mul3A_83, %add3A_84 : i32
      %dma_start3A_86 = tpu.memref_slice %arg4[%add3A_85] : memref<200704xf32, #tpu.memory_space<hbm>> -> memref<1792xf32, #tpu.memory_space<hbm>>
      %dma_start3A_87 = tpu.memref_slice %arg4[%add3A_85] : memref<200704xf32, #tpu.memory_space<hbm>> -> memref<1792xf32, #tpu.memory_space<hbm>>
      tpu.enqueue_dma source(%dma_start3A_87 : memref<1792xf32, #tpu.memory_space<hbm>>) target(%arg11 : memref<1792xf32, #tpu.memory_space<vmem>>) target_semaphore(%arg18 : memref<!tpu.dma_semaphore, #tpu.memory_space<semaphore_mem>>)
      %dma_wait3A = arith.constant 0 : i32
      %dma_wait3A_88 = arith.constant 0 : i32
      %dma_wait3A_89 = tpu.memref_slice %arg2[%add3A_46, %dma_wait3A, %dma_wait3A_88] : memref<384x224x224xf32, #tpu.memory_space<hbm>> -> memref<1x224x224xf32, #tpu.memory_space<hbm>>
      %dma_wait3A_90 = tpu.memref_squeeze %dma_wait3A_89 : memref<1x224x224xf32, #tpu.memory_space<hbm>> -> memref<224x224xf32, #tpu.memory_space<hbm>>
      %dma_wait3A_91 = arith.constant 0 : i32
      %dma_wait3A_92 = arith.constant 0 : i32
      %dma_wait3A_93 = tpu.memref_slice %arg2[%add3A_46, %dma_wait3A_91, %dma_wait3A_92] : memref<384x224x224xf32, #tpu.memory_space<hbm>> -> memref<1x224x224xf32, #tpu.memory_space<hbm>>
      %dma_wait3A_94 = tpu.memref_squeeze %dma_wait3A_93 : memref<1x224x224xf32, #tpu.memory_space<hbm>> -> memref<224x224xf32, #tpu.memory_space<hbm>>
      tpu.wait_dma2 semaphore(%arg16 : memref<!tpu.dma_semaphore, #tpu.memory_space<semaphore_mem>>) src(%dma_wait3A_94 : memref<224x224xf32, #tpu.memory_space<hbm>>) dst(%arg6 : memref<224x224xf32, #tpu.memory_space<vmem>>)
      %dma_wait3A_95 = arith.constant 0 : i32
      %dma_wait3A_96 = arith.constant 0 : i32
      %dma_wait3A_97 = tpu.memref_slice %arg2[%add3A_55, %dma_wait3A_95, %dma_wait3A_96] : memref<384x224x224xf32, #tpu.memory_space<hbm>> -> memref<1x224x224xf32, #tpu.memory_space<hbm>>
      %dma_wait3A_98 = tpu.memref_squeeze %dma_wait3A_97 : memref<1x224x224xf32, #tpu.memory_space<hbm>> -> memref<224x224xf32, #tpu.memory_space<hbm>>
      %dma_wait3A_99 = arith.constant 0 : i32
      %dma_wait3A_100 = arith.constant 0 : i32
      %dma_wait3A_101 = tpu.memref_slice %arg2[%add3A_55, %dma_wait3A_99, %dma_wait3A_100] : memref<384x224x224xf32, #tpu.memory_space<hbm>> -> memref<1x224x224xf32, #tpu.memory_space<hbm>>
      %dma_wait3A_102 = tpu.memref_squeeze %dma_wait3A_101 : memref<1x224x224xf32, #tpu.memory_space<hbm>> -> memref<224x224xf32, #tpu.memory_space<hbm>>
      tpu.wait_dma2 semaphore(%arg16 : memref<!tpu.dma_semaphore, #tpu.memory_space<semaphore_mem>>) src(%dma_wait3A_102 : memref<224x224xf32, #tpu.memory_space<hbm>>) dst(%arg7 : memref<224x224xf32, #tpu.memory_space<vmem>>)
      %scan3A_103 = arith.constant 0 : i32
      %scan3A_104 = arith.constant 0 : i32
      %scan3A_105 = arith.constant 14 : i32
      %scan3A_106 = arith.addi %scan3A_104, %scan3A_105 : i32
      %scan3A_107 = arith.constant 1 : i32
      %scan3A_108 = scf.for %scan3A_147 = %scan3A_104 to %scan3A_106 step %scan3A_107 iter_args(%scan3A_148 = %scan3A_103) -> (i32)  : i32 {
        %mul3A_149 = arith.constant 2 : i32
        %mul3A_150 = arith.muli %mul3A_149, %scan3A_147 : i32
        %add3A_151 = arith.constant 0 : i32
        %add3A_152 = arith.addi %mul3A_150, %add3A_151 : i32
        %mul3A_153 = arith.constant 50176 : i32
        %mul3A_154 = arith.muli %select_n3A, %mul3A_153 : i32
        %mul3A_155 = arith.constant 1792 : i32
        %mul3A_156 = arith.muli %add3A_152, %mul3A_155 : i32
        %add3A_157 = arith.addi %mul3A_154, %mul3A_156 : i32
        %mul3A_158 = arith.constant 8 : i32
        %mul3A_159 = arith.muli %add3A_152, %mul3A_158 : i32
        %dma_wait3A_160 = tpu.memref_slice %arg3[%add3A_157] : memref<200704xf32, #tpu.memory_space<hbm>> -> memref<1792xf32, #tpu.memory_space<hbm>>
        %dma_wait3A_161 = tpu.memref_slice %arg3[%add3A_157] : memref<200704xf32, #tpu.memory_space<hbm>> -> memref<1792xf32, #tpu.memory_space<hbm>>
        tpu.wait_dma2 semaphore(%arg17 : memref<!tpu.dma_semaphore, #tpu.memory_space<semaphore_mem>>) src(%dma_wait3A_161 : memref<1792xf32, #tpu.memory_space<hbm>>) dst(%arg8 : memref<1792xf32, #tpu.memory_space<vmem>>)
        %dma_wait3A_162 = tpu.memref_slice %arg4[%add3A_157] : memref<200704xf32, #tpu.memory_space<hbm>> -> memref<1792xf32, #tpu.memory_space<hbm>>
        %dma_wait3A_163 = tpu.memref_slice %arg4[%add3A_157] : memref<200704xf32, #tpu.memory_space<hbm>> -> memref<1792xf32, #tpu.memory_space<hbm>>
        tpu.wait_dma2 semaphore(%arg17 : memref<!tpu.dma_semaphore, #tpu.memory_space<semaphore_mem>>) src(%dma_wait3A_163 : memref<1792xf32, #tpu.memory_space<hbm>>) dst(%arg10 : memref<1792xf32, #tpu.memory_space<vmem>>)
        %ge3A = arith.constant 1 : i32
        %ge3A_164 = arith.cmpi sge, %scan3A_147, %ge3A : i32
        %convert_element_type3A = arith.extui %ge3A_164 : i1 to i32
        %cond3A = arith.constant 0 : i32
        %cond3A_165 = arith.cmpi ne, %convert_element_type3A, %cond3A : i32
        scf.if %cond3A_165 {
          %dma_wait3A_230 = arith.constant 0 : i32
          %dma_wait3A_231 = tpu.memref_slice %arg5[%add3A_46, %mul3A_159, %dma_wait3A_230] : memref<384x224x224xf32, #tpu.memory_space<hbm>> -> memref<1x8x224xf32, #tpu.memory_space<hbm>>
          %dma_wait3A_232 = tpu.memref_squeeze %dma_wait3A_231 : memref<1x8x224xf32, #tpu.memory_space<hbm>> -> memref<8x224xf32, #tpu.memory_space<hbm>>
          %dma_wait3A_233 = arith.constant 0 : i32
          %dma_wait3A_234 = tpu.memref_slice %arg5[%add3A_46, %mul3A_159, %dma_wait3A_233] : memref<384x224x224xf32, #tpu.memory_space<hbm>> -> memref<1x8x224xf32, #tpu.memory_space<hbm>>
          %dma_wait3A_235 = tpu.memref_squeeze %dma_wait3A_234 : memref<1x8x224xf32, #tpu.memory_space<hbm>> -> memref<8x224xf32, #tpu.memory_space<hbm>>
          tpu.wait_dma2 semaphore(%arg19 : memref<!tpu.dma_semaphore, #tpu.memory_space<semaphore_mem>>) src(%arg12 : memref<8x224xf32, #tpu.memory_space<vmem>>) dst(%dma_wait3A_235 : memref<8x224xf32, #tpu.memory_space<hbm>>)
          %add3A_236 = arith.constant 1 : i32
          %add3A_237 = arith.addi %add3A_46, %add3A_236 : i32
          %dma_wait3A_238 = arith.constant 0 : i32
          %dma_wait3A_239 = tpu.memref_slice %arg5[%add3A_237, %mul3A_159, %dma_wait3A_238] : memref<384x224x224xf32, #tpu.memory_space<hbm>> -> memref<1x8x224xf32, #tpu.memory_space<hbm>>
          %dma_wait3A_240 = tpu.memref_squeeze %dma_wait3A_239 : memref<1x8x224xf32, #tpu.memory_space<hbm>> -> memref<8x224xf32, #tpu.memory_space<hbm>>
          %dma_wait3A_241 = arith.constant 0 : i32
          %dma_wait3A_242 = tpu.memref_slice %arg5[%add3A_237, %mul3A_159, %dma_wait3A_241] : memref<384x224x224xf32, #tpu.memory_space<hbm>> -> memref<1x8x224xf32, #tpu.memory_space<hbm>>
          %dma_wait3A_243 = tpu.memref_squeeze %dma_wait3A_242 : memref<1x8x224xf32, #tpu.memory_space<hbm>> -> memref<8x224xf32, #tpu.memory_space<hbm>>
          tpu.wait_dma2 semaphore(%arg19 : memref<!tpu.dma_semaphore, #tpu.memory_space<semaphore_mem>>) src(%arg14 : memref<8x224xf32, #tpu.memory_space<vmem>>) dst(%dma_wait3A_243 : memref<8x224xf32, #tpu.memory_space<hbm>>)
        } else {
        }
        %parallel_loop3A = arith.constant 0 : i32
        %parallel_loop3A_166 = arith.constant 112 : i32
        %parallel_loop3A_167 = arith.constant 1 : i32
        scf.for %parallel_loop3A_230 = %parallel_loop3A to %parallel_loop3A_166 step %parallel_loop3A_167  : i32 {
          %parallel_loop3A_231 = arith.constant 7 : i32
          %parallel_loop3A_232 = arith.andi %parallel_loop3A_230, %parallel_loop3A_231 : i32
          %parallel_loop3A_233 = arith.constant 3 : i32
          %parallel_loop3A_234 = arith.shrsi %parallel_loop3A_230, %parallel_loop3A_233 : i32
          %parallel_loop3A_235 = arith.constant 4 : i32
          %parallel_loop3A_236 = arith.shli %parallel_loop3A_234, %parallel_loop3A_235 : i32
          %parallel_loop3A_237 = arith.constant 224 : i32
          %parallel_loop3A_238 = arith.muli %parallel_loop3A_232, %parallel_loop3A_237 : i32
          %parallel_loop3A_239 = arith.addi %parallel_loop3A_238, %parallel_loop3A_236 : i32
          %parallel_loop3A_240 = arith.index_cast %parallel_loop3A_239 : i32 to index
          %parallel_loop3A_241 = tpu.vector_load %arg8[%parallel_loop3A_240] {strides = array<i32>} : memref<1792xf32, #tpu.memory_space<vmem>>, vector<16xf32>,
          %parallel_loop3A_242 = arith.constant 1.000000e+00 : f32
          %parallel_loop3A_243 = vector.broadcast %parallel_loop3A_242 : f32 to vector<16xf32>
          %parallel_loop3A_244 = arith.addf %parallel_loop3A_241, %parallel_loop3A_243 : vector<16xf32>
          %parallel_loop3A_245 = arith.constant 1.115000e+02 : f32
          %parallel_loop3A_246 = vector.broadcast %parallel_loop3A_245 : f32 to vector<16xf32>
          %parallel_loop3A_247 = arith.mulf %parallel_loop3A_244, %parallel_loop3A_246 : vector<16xf32>
          %parallel_loop3A_248 = arith.index_cast %parallel_loop3A_239 : i32 to index
          %parallel_loop3A_249 = tpu.vector_load %arg10[%parallel_loop3A_248] {strides = array<i32>} : memref<1792xf32, #tpu.memory_space<vmem>>, vector<16xf32>,
          %parallel_loop3A_250 = arith.constant 1.000000e+00 : f32
          %parallel_loop3A_251 = vector.broadcast %parallel_loop3A_250 : f32 to vector<16xf32>
          %parallel_loop3A_252 = arith.addf %parallel_loop3A_249, %parallel_loop3A_251 : vector<16xf32>
          %parallel_loop3A_253 = arith.constant 1.115000e+02 : f32
          %parallel_loop3A_254 = vector.broadcast %parallel_loop3A_253 : f32 to vector<16xf32>
          %parallel_loop3A_255 = arith.mulf %parallel_loop3A_252, %parallel_loop3A_254 : vector<16xf32>
          %parallel_loop3A_256 = arith.fptosi %parallel_loop3A_247 : vector<16xf32> to vector<16xi32>
          %parallel_loop3A_257 = arith.constant 222 : i32
          %parallel_loop3A_258 = vector.broadcast %parallel_loop3A_257 : i32 to vector<16xi32>
          %parallel_loop3A_259 = arith.minsi %parallel_loop3A_256, %parallel_loop3A_258 : vector<16xi32>
          %parallel_loop3A_260 = arith.constant 0 : i32
          %parallel_loop3A_261 = vector.broadcast %parallel_loop3A_260 : i32 to vector<16xi32>
          %parallel_loop3A_262 = arith.maxsi %parallel_loop3A_259, %parallel_loop3A_261 : vector<16xi32>
          %parallel_loop3A_263 = arith.fptosi %parallel_loop3A_255 : vector<16xf32> to vector<16xi32>
          %parallel_loop3A_264 = arith.constant 222 : i32
          %parallel_loop3A_265 = vector.broadcast %parallel_loop3A_264 : i32 to vector<16xi32>
          %parallel_loop3A_266 = arith.minsi %parallel_loop3A_263, %parallel_loop3A_265 : vector<16xi32>
          %parallel_loop3A_267 = arith.constant 0 : i32
          %parallel_loop3A_268 = vector.broadcast %parallel_loop3A_267 : i32 to vector<16xi32>
          %parallel_loop3A_269 = arith.maxsi %parallel_loop3A_266, %parallel_loop3A_268 : vector<16xi32>
          %parallel_loop3A_270 = arith.sitofp %parallel_loop3A_262 : vector<16xi32> to vector<16xf32>
          %parallel_loop3A_271 = arith.subf %parallel_loop3A_247, %parallel_loop3A_270 : vector<16xf32>
          %parallel_loop3A_272 = arith.sitofp %parallel_loop3A_269 : vector<16xi32> to vector<16xf32>
          %parallel_loop3A_273 = arith.subf %parallel_loop3A_255, %parallel_loop3A_272 : vector<16xf32>
          %parallel_loop3A_274 = arith.mulf %parallel_loop3A_271, %parallel_loop3A_273 : vector<16xf32>
          %parallel_loop3A_275 = arith.subf %parallel_loop3A_273, %parallel_loop3A_274 : vector<16xf32>
          %parallel_loop3A_276 = arith.subf %parallel_loop3A_271, %parallel_loop3A_274 : vector<16xf32>
          %parallel_loop3A_277 = arith.constant 1.000000e+00 : f32
          %parallel_loop3A_278 = vector.broadcast %parallel_loop3A_277 : f32 to vector<16xf32>
          %parallel_loop3A_279 = arith.subf %parallel_loop3A_278, %parallel_loop3A_271 : vector<16xf32>
          %parallel_loop3A_280 = arith.subf %parallel_loop3A_279, %parallel_loop3A_275 : vector<16xf32>
          %parallel_loop3A_281 = arith.constant 1 : i32
          %parallel_loop3A_282 = vector.broadcast %parallel_loop3A_281 : i32 to vector<16xi32>
          %parallel_loop3A_283 = arith.addi %parallel_loop3A_262, %parallel_loop3A_282 : vector<16xi32>
          %parallel_loop3A_284 = arith.constant 1 : i32
          %parallel_loop3A_285 = vector.broadcast %parallel_loop3A_284 : i32 to vector<16xi32>
          %parallel_loop3A_286 = arith.addi %parallel_loop3A_269, %parallel_loop3A_285 : vector<16xi32>
          %parallel_loop3A_287 = tpu.vector_load_idx %arg6[%parallel_loop3A_269, %parallel_loop3A_262] : memref<224x224xf32, #tpu.memory_space<vmem>>[vector<16xi32>, vector<16xi32>], vector<16xf32>,
          %parallel_loop3A_288 = tpu.vector_load_idx %arg6[%parallel_loop3A_269, %parallel_loop3A_283] : memref<224x224xf32, #tpu.memory_space<vmem>>[vector<16xi32>, vector<16xi32>], vector<16xf32>,
          %parallel_loop3A_289 = tpu.vector_load_idx %arg6[%parallel_loop3A_286, %parallel_loop3A_262] : memref<224x224xf32, #tpu.memory_space<vmem>>[vector<16xi32>, vector<16xi32>], vector<16xf32>,
          %parallel_loop3A_290 = tpu.vector_load_idx %arg6[%parallel_loop3A_286, %parallel_loop3A_283] : memref<224x224xf32, #tpu.memory_space<vmem>>[vector<16xi32>, vector<16xi32>], vector<16xf32>,
          %parallel_loop3A_291 = arith.mulf %parallel_loop3A_280, %parallel_loop3A_287 : vector<16xf32>
          %parallel_loop3A_292 = arith.mulf %parallel_loop3A_276, %parallel_loop3A_288 : vector<16xf32>
          %parallel_loop3A_293 = arith.addf %parallel_loop3A_291, %parallel_loop3A_292 : vector<16xf32>
          %parallel_loop3A_294 = arith.mulf %parallel_loop3A_275, %parallel_loop3A_289 : vector<16xf32>
          %parallel_loop3A_295 = arith.addf %parallel_loop3A_293, %parallel_loop3A_294 : vector<16xf32>
          %parallel_loop3A_296 = arith.mulf %parallel_loop3A_274, %parallel_loop3A_290 : vector<16xf32>
          %parallel_loop3A_297 = arith.addf %parallel_loop3A_295, %parallel_loop3A_296 : vector<16xf32>
          %parallel_loop3A_298 = arith.index_cast %parallel_loop3A_232 : i32 to index
          %parallel_loop3A_299 = arith.index_cast %parallel_loop3A_236 : i32 to index
          %parallel_loop3A_300 = tpu.vector_load %arg12[%parallel_loop3A_298, %parallel_loop3A_299] {strides = array<i32>} : memref<8x224xf32, #tpu.memory_space<vmem>>, vector<16xf32>,
          tpu.vector_store %arg12[%parallel_loop3A_298, %parallel_loop3A_299], %parallel_loop3A_297 {strides = array<i32>} : memref<8x224xf32, #tpu.memory_space<vmem>>, vector<16xf32>,
          %parallel_loop3A_301 = tpu.vector_load_idx %arg7[%parallel_loop3A_269, %parallel_loop3A_262] : memref<224x224xf32, #tpu.memory_space<vmem>>[vector<16xi32>, vector<16xi32>], vector<16xf32>,
          %parallel_loop3A_302 = tpu.vector_load_idx %arg7[%parallel_loop3A_269, %parallel_loop3A_283] : memref<224x224xf32, #tpu.memory_space<vmem>>[vector<16xi32>, vector<16xi32>], vector<16xf32>,
          %parallel_loop3A_303 = tpu.vector_load_idx %arg7[%parallel_loop3A_286, %parallel_loop3A_262] : memref<224x224xf32, #tpu.memory_space<vmem>>[vector<16xi32>, vector<16xi32>], vector<16xf32>,
          %parallel_loop3A_304 = tpu.vector_load_idx %arg7[%parallel_loop3A_286, %parallel_loop3A_283] : memref<224x224xf32, #tpu.memory_space<vmem>>[vector<16xi32>, vector<16xi32>], vector<16xf32>,
          %parallel_loop3A_305 = arith.mulf %parallel_loop3A_280, %parallel_loop3A_301 : vector<16xf32>
          %parallel_loop3A_306 = arith.mulf %parallel_loop3A_276, %parallel_loop3A_302 : vector<16xf32>
          %parallel_loop3A_307 = arith.addf %parallel_loop3A_305, %parallel_loop3A_306 : vector<16xf32>
          %parallel_loop3A_308 = arith.mulf %parallel_loop3A_275, %parallel_loop3A_303 : vector<16xf32>
          %parallel_loop3A_309 = arith.addf %parallel_loop3A_307, %parallel_loop3A_308 : vector<16xf32>
          %parallel_loop3A_310 = arith.mulf %parallel_loop3A_274, %parallel_loop3A_304 : vector<16xf32>
          %parallel_loop3A_311 = arith.addf %parallel_loop3A_309, %parallel_loop3A_310 : vector<16xf32>
          %parallel_loop3A_312 = arith.index_cast %parallel_loop3A_232 : i32 to index
          %parallel_loop3A_313 = arith.index_cast %parallel_loop3A_236 : i32 to index
          %parallel_loop3A_314 = tpu.vector_load %arg14[%parallel_loop3A_312, %parallel_loop3A_313] {strides = array<i32>} : memref<8x224xf32, #tpu.memory_space<vmem>>, vector<16xf32>,
          tpu.vector_store %arg14[%parallel_loop3A_312, %parallel_loop3A_313], %parallel_loop3A_311 {strides = array<i32>} : memref<8x224xf32, #tpu.memory_space<vmem>>, vector<16xf32>,
        } {sc.loop_unroll_factor = 4 : i64, sc.parallel_access}
        %dma_start3A_168 = arith.constant 0 : i32
        %dma_start3A_169 = tpu.memref_slice %arg5[%add3A_46, %mul3A_159, %dma_start3A_168] : memref<384x224x224xf32, #tpu.memory_space<hbm>> -> memref<1x8x224xf32, #tpu.memory_space<hbm>>
        %dma_start3A_170 = tpu.memref_squeeze %dma_start3A_169 : memref<1x8x224xf32, #tpu.memory_space<hbm>> -> memref<8x224xf32, #tpu.memory_space<hbm>>
        %dma_start3A_171 = arith.constant 0 : i32
        %dma_start3A_172 = tpu.memref_slice %arg5[%add3A_46, %mul3A_159, %dma_start3A_171] : memref<384x224x224xf32, #tpu.memory_space<hbm>> -> memref<1x8x224xf32, #tpu.memory_space<hbm>>
        %dma_start3A_173 = tpu.memref_squeeze %dma_start3A_172 : memref<1x8x224xf32, #tpu.memory_space<hbm>> -> memref<8x224xf32, #tpu.memory_space<hbm>>
        tpu.enqueue_dma source(%arg12 : memref<8x224xf32, #tpu.memory_space<vmem>>) target(%dma_start3A_173 : memref<8x224xf32, #tpu.memory_space<hbm>>) target_semaphore(%arg19 : memref<!tpu.dma_semaphore, #tpu.memory_space<semaphore_mem>>)
        %add3A_174 = arith.constant 1 : i32
        %add3A_175 = arith.addi %add3A_46, %add3A_174 : i32
        %dma_start3A_176 = arith.constant 0 : i32
        %dma_start3A_177 = tpu.memref_slice %arg5[%add3A_175, %mul3A_159, %dma_start3A_176] : memref<384x224x224xf32, #tpu.memory_space<hbm>> -> memref<1x8x224xf32, #tpu.memory_space<hbm>>
        %dma_start3A_178 = tpu.memref_squeeze %dma_start3A_177 : memref<1x8x224xf32, #tpu.memory_space<hbm>> -> memref<8x224xf32, #tpu.memory_space<hbm>>
        %dma_start3A_179 = arith.constant 0 : i32
        %dma_start3A_180 = tpu.memref_slice %arg5[%add3A_175, %mul3A_159, %dma_start3A_179] : memref<384x224x224xf32, #tpu.memory_space<hbm>> -> memref<1x8x224xf32, #tpu.memory_space<hbm>>
        %dma_start3A_181 = tpu.memref_squeeze %dma_start3A_180 : memref<1x8x224xf32, #tpu.memory_space<hbm>> -> memref<8x224xf32, #tpu.memory_space<hbm>>
        tpu.enqueue_dma source(%arg14 : memref<8x224xf32, #tpu.memory_space<vmem>>) target(%dma_start3A_181 : memref<8x224xf32, #tpu.memory_space<hbm>>) target_semaphore(%arg19 : memref<!tpu.dma_semaphore, #tpu.memory_space<semaphore_mem>>)
        %lt3A_182 = arith.constant 13 : i32
        %lt3A_183 = arith.cmpi slt, %scan3A_147, %lt3A_182 : i32
        %convert_element_type3A_184 = arith.extui %lt3A_183 : i1 to i32
        %cond3A_185 = arith.constant 0 : i32
        %cond3A_186 = arith.cmpi ne, %convert_element_type3A_184, %cond3A_185 : i32
        scf.if %cond3A_186 {
          %add3A_230 = arith.constant 3584 : i32
          %add3A_231 = arith.addi %add3A_157, %add3A_230 : i32
          %dma_start3A_232 = tpu.memref_slice %arg3[%add3A_231] : memref<200704xf32, #tpu.memory_space<hbm>> -> memref<1792xf32, #tpu.memory_space<hbm>>
          %dma_start3A_233 = tpu.memref_slice %arg3[%add3A_231] : memref<200704xf32, #tpu.memory_space<hbm>> -> memref<1792xf32, #tpu.memory_space<hbm>>
          tpu.enqueue_dma source(%dma_start3A_233 : memref<1792xf32, #tpu.memory_space<hbm>>) target(%arg8 : memref<1792xf32, #tpu.memory_space<vmem>>) target_semaphore(%arg17 : memref<!tpu.dma_semaphore, #tpu.memory_space<semaphore_mem>>)
          %dma_start3A_234 = tpu.memref_slice %arg4[%add3A_231] : memref<200704xf32, #tpu.memory_space<hbm>> -> memref<1792xf32, #tpu.memory_space<hbm>>
          %dma_start3A_235 = tpu.memref_slice %arg4[%add3A_231] : memref<200704xf32, #tpu.memory_space<hbm>> -> memref<1792xf32, #tpu.memory_space<hbm>>
          tpu.enqueue_dma source(%dma_start3A_235 : memref<1792xf32, #tpu.memory_space<hbm>>) target(%arg10 : memref<1792xf32, #tpu.memory_space<vmem>>) target_semaphore(%arg17 : memref<!tpu.dma_semaphore, #tpu.memory_space<semaphore_mem>>)
        } else {
        }
        %mul3A_187 = arith.constant 2 : i32
        %mul3A_188 = arith.muli %mul3A_187, %scan3A_147 : i32
        %add3A_189 = arith.constant 1 : i32
        %add3A_190 = arith.addi %mul3A_188, %add3A_189 : i32
        %mul3A_191 = arith.constant 50176 : i32
        %mul3A_192 = arith.muli %select_n3A, %mul3A_191 : i32
        %mul3A_193 = arith.constant 1792 : i32
        %mul3A_194 = arith.muli %add3A_190, %mul3A_193 : i32
        %add3A_195 = arith.addi %mul3A_192, %mul3A_194 : i32
        %mul3A_196 = arith.constant 8 : i32
        %mul3A_197 = arith.muli %add3A_190, %mul3A_196 : i32
        %dma_wait3A_198 = tpu.memref_slice %arg3[%add3A_195] : memref<200704xf32, #tpu.memory_space<hbm>> -> memref<1792xf32, #tpu.memory_space<hbm>>
        %dma_wait3A_199 = tpu.memref_slice %arg3[%add3A_195] : memref<200704xf32, #tpu.memory_space<hbm>> -> memref<1792xf32, #tpu.memory_space<hbm>>
        tpu.wait_dma2 semaphore(%arg18 : memref<!tpu.dma_semaphore, #tpu.memory_space<semaphore_mem>>) src(%dma_wait3A_199 : memref<1792xf32, #tpu.memory_space<hbm>>) dst(%arg9 : memref<1792xf32, #tpu.memory_space<vmem>>)
        %dma_wait3A_200 = tpu.memref_slice %arg4[%add3A_195] : memref<200704xf32, #tpu.memory_space<hbm>> -> memref<1792xf32, #tpu.memory_space<hbm>>
        %dma_wait3A_201 = tpu.memref_slice %arg4[%add3A_195] : memref<200704xf32, #tpu.memory_space<hbm>> -> memref<1792xf32, #tpu.memory_space<hbm>>
        tpu.wait_dma2 semaphore(%arg18 : memref<!tpu.dma_semaphore, #tpu.memory_space<semaphore_mem>>) src(%dma_wait3A_201 : memref<1792xf32, #tpu.memory_space<hbm>>) dst(%arg11 : memref<1792xf32, #tpu.memory_space<vmem>>)
        %ge3A_202 = arith.constant 1 : i32
        %ge3A_203 = arith.cmpi sge, %scan3A_147, %ge3A_202 : i32
        %convert_element_type3A_204 = arith.extui %ge3A_203 : i1 to i32
        %cond3A_205 = arith.constant 0 : i32
        %cond3A_206 = arith.cmpi ne, %convert_element_type3A_204, %cond3A_205 : i32
        scf.if %cond3A_206 {
          %dma_wait3A_230 = arith.constant 0 : i32
          %dma_wait3A_231 = tpu.memref_slice %arg5[%add3A_46, %mul3A_197, %dma_wait3A_230] : memref<384x224x224xf32, #tpu.memory_space<hbm>> -> memref<1x8x224xf32, #tpu.memory_space<hbm>>
          %dma_wait3A_232 = tpu.memref_squeeze %dma_wait3A_231 : memref<1x8x224xf32, #tpu.memory_space<hbm>> -> memref<8x224xf32, #tpu.memory_space<hbm>>
          %dma_wait3A_233 = arith.constant 0 : i32
          %dma_wait3A_234 = tpu.memref_slice %arg5[%add3A_46, %mul3A_197, %dma_wait3A_233] : memref<384x224x224xf32, #tpu.memory_space<hbm>> -> memref<1x8x224xf32, #tpu.memory_space<hbm>>
          %dma_wait3A_235 = tpu.memref_squeeze %dma_wait3A_234 : memref<1x8x224xf32, #tpu.memory_space<hbm>> -> memref<8x224xf32, #tpu.memory_space<hbm>>
          tpu.wait_dma2 semaphore(%arg20 : memref<!tpu.dma_semaphore, #tpu.memory_space<semaphore_mem>>) src(%arg13 : memref<8x224xf32, #tpu.memory_space<vmem>>) dst(%dma_wait3A_235 : memref<8x224xf32, #tpu.memory_space<hbm>>)
          %add3A_236 = arith.constant 1 : i32
          %add3A_237 = arith.addi %add3A_46, %add3A_236 : i32
          %dma_wait3A_238 = arith.constant 0 : i32
          %dma_wait3A_239 = tpu.memref_slice %arg5[%add3A_237, %mul3A_197, %dma_wait3A_238] : memref<384x224x224xf32, #tpu.memory_space<hbm>> -> memref<1x8x224xf32, #tpu.memory_space<hbm>>
          %dma_wait3A_240 = tpu.memref_squeeze %dma_wait3A_239 : memref<1x8x224xf32, #tpu.memory_space<hbm>> -> memref<8x224xf32, #tpu.memory_space<hbm>>
          %dma_wait3A_241 = arith.constant 0 : i32
          %dma_wait3A_242 = tpu.memref_slice %arg5[%add3A_237, %mul3A_197, %dma_wait3A_241] : memref<384x224x224xf32, #tpu.memory_space<hbm>> -> memref<1x8x224xf32, #tpu.memory_space<hbm>>
          %dma_wait3A_243 = tpu.memref_squeeze %dma_wait3A_242 : memref<1x8x224xf32, #tpu.memory_space<hbm>> -> memref<8x224xf32, #tpu.memory_space<hbm>>
          tpu.wait_dma2 semaphore(%arg20 : memref<!tpu.dma_semaphore, #tpu.memory_space<semaphore_mem>>) src(%arg15 : memref<8x224xf32, #tpu.memory_space<vmem>>) dst(%dma_wait3A_243 : memref<8x224xf32, #tpu.memory_space<hbm>>)
        } else {
        }
        %parallel_loop3A_207 = arith.constant 0 : i32
        %parallel_loop3A_208 = arith.constant 112 : i32
        %parallel_loop3A_209 = arith.constant 1 : i32
        scf.for %parallel_loop3A_230 = %parallel_loop3A_207 to %parallel_loop3A_208 step %parallel_loop3A_209  : i32 {
          %parallel_loop3A_231 = arith.constant 7 : i32
          %parallel_loop3A_232 = arith.andi %parallel_loop3A_230, %parallel_loop3A_231 : i32
          %parallel_loop3A_233 = arith.constant 3 : i32
          %parallel_loop3A_234 = arith.shrsi %parallel_loop3A_230, %parallel_loop3A_233 : i32
          %parallel_loop3A_235 = arith.constant 4 : i32
          %parallel_loop3A_236 = arith.shli %parallel_loop3A_234, %parallel_loop3A_235 : i32
          %parallel_loop3A_237 = arith.constant 224 : i32
          %parallel_loop3A_238 = arith.muli %parallel_loop3A_232, %parallel_loop3A_237 : i32
          %parallel_loop3A_239 = arith.addi %parallel_loop3A_238, %parallel_loop3A_236 : i32
          %parallel_loop3A_240 = arith.index_cast %parallel_loop3A_239 : i32 to index
          %parallel_loop3A_241 = tpu.vector_load %arg9[%parallel_loop3A_240] {strides = array<i32>} : memref<1792xf32, #tpu.memory_space<vmem>>, vector<16xf32>,
          %parallel_loop3A_242 = arith.constant 1.000000e+00 : f32
          %parallel_loop3A_243 = vector.broadcast %parallel_loop3A_242 : f32 to vector<16xf32>
          %parallel_loop3A_244 = arith.addf %parallel_loop3A_241, %parallel_loop3A_243 : vector<16xf32>
          %parallel_loop3A_245 = arith.constant 1.115000e+02 : f32
          %parallel_loop3A_246 = vector.broadcast %parallel_loop3A_245 : f32 to vector<16xf32>
          %parallel_loop3A_247 = arith.mulf %parallel_loop3A_244, %parallel_loop3A_246 : vector<16xf32>
          %parallel_loop3A_248 = arith.index_cast %parallel_loop3A_239 : i32 to index
          %parallel_loop3A_249 = tpu.vector_load %arg11[%parallel_loop3A_248] {strides = array<i32>} : memref<1792xf32, #tpu.memory_space<vmem>>, vector<16xf32>,
          %parallel_loop3A_250 = arith.constant 1.000000e+00 : f32
          %parallel_loop3A_251 = vector.broadcast %parallel_loop3A_250 : f32 to vector<16xf32>
          %parallel_loop3A_252 = arith.addf %parallel_loop3A_249, %parallel_loop3A_251 : vector<16xf32>
          %parallel_loop3A_253 = arith.constant 1.115000e+02 : f32
          %parallel_loop3A_254 = vector.broadcast %parallel_loop3A_253 : f32 to vector<16xf32>
          %parallel_loop3A_255 = arith.mulf %parallel_loop3A_252, %parallel_loop3A_254 : vector<16xf32>
          %parallel_loop3A_256 = arith.fptosi %parallel_loop3A_247 : vector<16xf32> to vector<16xi32>
          %parallel_loop3A_257 = arith.constant 222 : i32
          %parallel_loop3A_258 = vector.broadcast %parallel_loop3A_257 : i32 to vector<16xi32>
          %parallel_loop3A_259 = arith.minsi %parallel_loop3A_256, %parallel_loop3A_258 : vector<16xi32>
          %parallel_loop3A_260 = arith.constant 0 : i32
          %parallel_loop3A_261 = vector.broadcast %parallel_loop3A_260 : i32 to vector<16xi32>
          %parallel_loop3A_262 = arith.maxsi %parallel_loop3A_259, %parallel_loop3A_261 : vector<16xi32>
          %parallel_loop3A_263 = arith.fptosi %parallel_loop3A_255 : vector<16xf32> to vector<16xi32>
          %parallel_loop3A_264 = arith.constant 222 : i32
          %parallel_loop3A_265 = vector.broadcast %parallel_loop3A_264 : i32 to vector<16xi32>
          %parallel_loop3A_266 = arith.minsi %parallel_loop3A_263, %parallel_loop3A_265 : vector<16xi32>
          %parallel_loop3A_267 = arith.constant 0 : i32
          %parallel_loop3A_268 = vector.broadcast %parallel_loop3A_267 : i32 to vector<16xi32>
          %parallel_loop3A_269 = arith.maxsi %parallel_loop3A_266, %parallel_loop3A_268 : vector<16xi32>
          %parallel_loop3A_270 = arith.sitofp %parallel_loop3A_262 : vector<16xi32> to vector<16xf32>
          %parallel_loop3A_271 = arith.subf %parallel_loop3A_247, %parallel_loop3A_270 : vector<16xf32>
          %parallel_loop3A_272 = arith.sitofp %parallel_loop3A_269 : vector<16xi32> to vector<16xf32>
          %parallel_loop3A_273 = arith.subf %parallel_loop3A_255, %parallel_loop3A_272 : vector<16xf32>
          %parallel_loop3A_274 = arith.mulf %parallel_loop3A_271, %parallel_loop3A_273 : vector<16xf32>
          %parallel_loop3A_275 = arith.subf %parallel_loop3A_273, %parallel_loop3A_274 : vector<16xf32>
          %parallel_loop3A_276 = arith.subf %parallel_loop3A_271, %parallel_loop3A_274 : vector<16xf32>
          %parallel_loop3A_277 = arith.constant 1.000000e+00 : f32
          %parallel_loop3A_278 = vector.broadcast %parallel_loop3A_277 : f32 to vector<16xf32>
          %parallel_loop3A_279 = arith.subf %parallel_loop3A_278, %parallel_loop3A_271 : vector<16xf32>
          %parallel_loop3A_280 = arith.subf %parallel_loop3A_279, %parallel_loop3A_275 : vector<16xf32>
          %parallel_loop3A_281 = arith.constant 1 : i32
          %parallel_loop3A_282 = vector.broadcast %parallel_loop3A_281 : i32 to vector<16xi32>
          %parallel_loop3A_283 = arith.addi %parallel_loop3A_262, %parallel_loop3A_282 : vector<16xi32>
          %parallel_loop3A_284 = arith.constant 1 : i32
          %parallel_loop3A_285 = vector.broadcast %parallel_loop3A_284 : i32 to vector<16xi32>
          %parallel_loop3A_286 = arith.addi %parallel_loop3A_269, %parallel_loop3A_285 : vector<16xi32>
          %parallel_loop3A_287 = tpu.vector_load_idx %arg6[%parallel_loop3A_269, %parallel_loop3A_262] : memref<224x224xf32, #tpu.memory_space<vmem>>[vector<16xi32>, vector<16xi32>], vector<16xf32>,
          %parallel_loop3A_288 = tpu.vector_load_idx %arg6[%parallel_loop3A_269, %parallel_loop3A_283] : memref<224x224xf32, #tpu.memory_space<vmem>>[vector<16xi32>, vector<16xi32>], vector<16xf32>,
          %parallel_loop3A_289 = tpu.vector_load_idx %arg6[%parallel_loop3A_286, %parallel_loop3A_262] : memref<224x224xf32, #tpu.memory_space<vmem>>[vector<16xi32>, vector<16xi32>], vector<16xf32>,
          %parallel_loop3A_290 = tpu.vector_load_idx %arg6[%parallel_loop3A_286, %parallel_loop3A_283] : memref<224x224xf32, #tpu.memory_space<vmem>>[vector<16xi32>, vector<16xi32>], vector<16xf32>,
          %parallel_loop3A_291 = arith.mulf %parallel_loop3A_280, %parallel_loop3A_287 : vector<16xf32>
          %parallel_loop3A_292 = arith.mulf %parallel_loop3A_276, %parallel_loop3A_288 : vector<16xf32>
          %parallel_loop3A_293 = arith.addf %parallel_loop3A_291, %parallel_loop3A_292 : vector<16xf32>
          %parallel_loop3A_294 = arith.mulf %parallel_loop3A_275, %parallel_loop3A_289 : vector<16xf32>
          %parallel_loop3A_295 = arith.addf %parallel_loop3A_293, %parallel_loop3A_294 : vector<16xf32>
          %parallel_loop3A_296 = arith.mulf %parallel_loop3A_274, %parallel_loop3A_290 : vector<16xf32>
          %parallel_loop3A_297 = arith.addf %parallel_loop3A_295, %parallel_loop3A_296 : vector<16xf32>
          %parallel_loop3A_298 = arith.index_cast %parallel_loop3A_232 : i32 to index
          %parallel_loop3A_299 = arith.index_cast %parallel_loop3A_236 : i32 to index
          %parallel_loop3A_300 = tpu.vector_load %arg13[%parallel_loop3A_298, %parallel_loop3A_299] {strides = array<i32>} : memref<8x224xf32, #tpu.memory_space<vmem>>, vector<16xf32>,
          tpu.vector_store %arg13[%parallel_loop3A_298, %parallel_loop3A_299], %parallel_loop3A_297 {strides = array<i32>} : memref<8x224xf32, #tpu.memory_space<vmem>>, vector<16xf32>,
          %parallel_loop3A_301 = tpu.vector_load_idx %arg7[%parallel_loop3A_269, %parallel_loop3A_262] : memref<224x224xf32, #tpu.memory_space<vmem>>[vector<16xi32>, vector<16xi32>], vector<16xf32>,
          %parallel_loop3A_302 = tpu.vector_load_idx %arg7[%parallel_loop3A_269, %parallel_loop3A_283] : memref<224x224xf32, #tpu.memory_space<vmem>>[vector<16xi32>, vector<16xi32>], vector<16xf32>,
          %parallel_loop3A_303 = tpu.vector_load_idx %arg7[%parallel_loop3A_286, %parallel_loop3A_262] : memref<224x224xf32, #tpu.memory_space<vmem>>[vector<16xi32>, vector<16xi32>], vector<16xf32>,
          %parallel_loop3A_304 = tpu.vector_load_idx %arg7[%parallel_loop3A_286, %parallel_loop3A_283] : memref<224x224xf32, #tpu.memory_space<vmem>>[vector<16xi32>, vector<16xi32>], vector<16xf32>,
          %parallel_loop3A_305 = arith.mulf %parallel_loop3A_280, %parallel_loop3A_301 : vector<16xf32>
          %parallel_loop3A_306 = arith.mulf %parallel_loop3A_276, %parallel_loop3A_302 : vector<16xf32>
          %parallel_loop3A_307 = arith.addf %parallel_loop3A_305, %parallel_loop3A_306 : vector<16xf32>
          %parallel_loop3A_308 = arith.mulf %parallel_loop3A_275, %parallel_loop3A_303 : vector<16xf32>
          %parallel_loop3A_309 = arith.addf %parallel_loop3A_307, %parallel_loop3A_308 : vector<16xf32>
          %parallel_loop3A_310 = arith.mulf %parallel_loop3A_274, %parallel_loop3A_304 : vector<16xf32>
          %parallel_loop3A_311 = arith.addf %parallel_loop3A_309, %parallel_loop3A_310 : vector<16xf32>
          %parallel_loop3A_312 = arith.index_cast %parallel_loop3A_232 : i32 to index
          %parallel_loop3A_313 = arith.index_cast %parallel_loop3A_236 : i32 to index
          %parallel_loop3A_314 = tpu.vector_load %arg15[%parallel_loop3A_312, %parallel_loop3A_313] {strides = array<i32>} : memref<8x224xf32, #tpu.memory_space<vmem>>, vector<16xf32>,
          tpu.vector_store %arg15[%parallel_loop3A_312, %parallel_loop3A_313], %parallel_loop3A_311 {strides = array<i32>} : memref<8x224xf32, #tpu.memory_space<vmem>>, vector<16xf32>,
        } {sc.loop_unroll_factor = 4 : i64, sc.parallel_access}
        %dma_start3A_210 = arith.constant 0 : i32
        %dma_start3A_211 = tpu.memref_slice %arg5[%add3A_46, %mul3A_197, %dma_start3A_210] : memref<384x224x224xf32, #tpu.memory_space<hbm>> -> memref<1x8x224xf32, #tpu.memory_space<hbm>>
        %dma_start3A_212 = tpu.memref_squeeze %dma_start3A_211 : memref<1x8x224xf32, #tpu.memory_space<hbm>> -> memref<8x224xf32, #tpu.memory_space<hbm>>
        %dma_start3A_213 = arith.constant 0 : i32
        %dma_start3A_214 = tpu.memref_slice %arg5[%add3A_46, %mul3A_197, %dma_start3A_213] : memref<384x224x224xf32, #tpu.memory_space<hbm>> -> memref<1x8x224xf32, #tpu.memory_space<hbm>>
        %dma_start3A_215 = tpu.memref_squeeze %dma_start3A_214 : memref<1x8x224xf32, #tpu.memory_space<hbm>> -> memref<8x224xf32, #tpu.memory_space<hbm>>
        tpu.enqueue_dma source(%arg13 : memref<8x224xf32, #tpu.memory_space<vmem>>) target(%dma_start3A_215 : memref<8x224xf32, #tpu.memory_space<hbm>>) target_semaphore(%arg20 : memref<!tpu.dma_semaphore, #tpu.memory_space<semaphore_mem>>)
        %add3A_216 = arith.constant 1 : i32
        %add3A_217 = arith.addi %add3A_46, %add3A_216 : i32
        %dma_start3A_218 = arith.constant 0 : i32
        %dma_start3A_219 = tpu.memref_slice %arg5[%add3A_217, %mul3A_197, %dma_start3A_218] : memref<384x224x224xf32, #tpu.memory_space<hbm>> -> memref<1x8x224xf32, #tpu.memory_space<hbm>>
        %dma_start3A_220 = tpu.memref_squeeze %dma_start3A_219 : memref<1x8x224xf32, #tpu.memory_space<hbm>> -> memref<8x224xf32, #tpu.memory_space<hbm>>
        %dma_start3A_221 = arith.constant 0 : i32
        %dma_start3A_222 = tpu.memref_slice %arg5[%add3A_217, %mul3A_197, %dma_start3A_221] : memref<384x224x224xf32, #tpu.memory_space<hbm>> -> memref<1x8x224xf32, #tpu.memory_space<hbm>>
        %dma_start3A_223 = tpu.memref_squeeze %dma_start3A_222 : memref<1x8x224xf32, #tpu.memory_space<hbm>> -> memref<8x224xf32, #tpu.memory_space<hbm>>
        tpu.enqueue_dma source(%arg15 : memref<8x224xf32, #tpu.memory_space<vmem>>) target(%dma_start3A_223 : memref<8x224xf32, #tpu.memory_space<hbm>>) target_semaphore(%arg20 : memref<!tpu.dma_semaphore, #tpu.memory_space<semaphore_mem>>)
        %lt3A_224 = arith.constant 13 : i32
        %lt3A_225 = arith.cmpi slt, %scan3A_147, %lt3A_224 : i32
        %convert_element_type3A_226 = arith.extui %lt3A_225 : i1 to i32
        %cond3A_227 = arith.constant 0 : i32
        %cond3A_228 = arith.cmpi ne, %convert_element_type3A_226, %cond3A_227 : i32
        scf.if %cond3A_228 {
          %add3A_230 = arith.constant 3584 : i32
          %add3A_231 = arith.addi %add3A_195, %add3A_230 : i32
          %dma_start3A_232 = tpu.memref_slice %arg3[%add3A_231] : memref<200704xf32, #tpu.memory_space<hbm>> -> memref<1792xf32, #tpu.memory_space<hbm>>
          %dma_start3A_233 = tpu.memref_slice %arg3[%add3A_231] : memref<200704xf32, #tpu.memory_space<hbm>> -> memref<1792xf32, #tpu.memory_space<hbm>>
          tpu.enqueue_dma source(%dma_start3A_233 : memref<1792xf32, #tpu.memory_space<hbm>>) target(%arg9 : memref<1792xf32, #tpu.memory_space<vmem>>) target_semaphore(%arg18 : memref<!tpu.dma_semaphore, #tpu.memory_space<semaphore_mem>>)
          %dma_start3A_234 = tpu.memref_slice %arg4[%add3A_231] : memref<200704xf32, #tpu.memory_space<hbm>> -> memref<1792xf32, #tpu.memory_space<hbm>>
          %dma_start3A_235 = tpu.memref_slice %arg4[%add3A_231] : memref<200704xf32, #tpu.memory_space<hbm>> -> memref<1792xf32, #tpu.memory_space<hbm>>
          tpu.enqueue_dma source(%dma_start3A_235 : memref<1792xf32, #tpu.memory_space<hbm>>) target(%arg11 : memref<1792xf32, #tpu.memory_space<vmem>>) target_semaphore(%arg18 : memref<!tpu.dma_semaphore, #tpu.memory_space<semaphore_mem>>)
        } else {
        }
        %scan3A_229 = arith.constant 0 : i32
        scf.yield %scan3A_229 : i32
      }
      %scan3A_109 = arith.constant 14 : i32
      %dma_wait3A_110 = arith.constant 208 : i32
      %dma_wait3A_111 = arith.constant 0 : i32
      %dma_wait3A_112 = tpu.memref_slice %arg5[%add3A_46, %dma_wait3A_110, %dma_wait3A_111] : memref<384x224x224xf32, #tpu.memory_space<hbm>> -> memref<1x8x224xf32, #tpu.memory_space<hbm>>
      %dma_wait3A_113 = tpu.memref_squeeze %dma_wait3A_112 : memref<1x8x224xf32, #tpu.memory_space<hbm>> -> memref<8x224xf32, #tpu.memory_space<hbm>>
      %dma_wait3A_114 = arith.constant 208 : i32
      %dma_wait3A_115 = arith.constant 0 : i32
      %dma_wait3A_116 = tpu.memref_slice %arg5[%add3A_46, %dma_wait3A_114, %dma_wait3A_115] : memref<384x224x224xf32, #tpu.memory_space<hbm>> -> memref<1x8x224xf32, #tpu.memory_space<hbm>>
      %dma_wait3A_117 = tpu.memref_squeeze %dma_wait3A_116 : memref<1x8x224xf32, #tpu.memory_space<hbm>> -> memref<8x224xf32, #tpu.memory_space<hbm>>
      tpu.wait_dma2 semaphore(%arg19 : memref<!tpu.dma_semaphore, #tpu.memory_space<semaphore_mem>>) src(%arg12 : memref<8x224xf32, #tpu.memory_space<vmem>>) dst(%dma_wait3A_117 : memref<8x224xf32, #tpu.memory_space<hbm>>)
      %add3A_118 = arith.constant 1 : i32
      %add3A_119 = arith.addi %add3A_46, %add3A_118 : i32
      %dma_wait3A_120 = arith.constant 208 : i32
      %dma_wait3A_121 = arith.constant 0 : i32
      %dma_wait3A_122 = tpu.memref_slice %arg5[%add3A_119, %dma_wait3A_120, %dma_wait3A_121] : memref<384x224x224xf32, #tpu.memory_space<hbm>> -> memref<1x8x224xf32, #tpu.memory_space<hbm>>
      %dma_wait3A_123 = tpu.memref_squeeze %dma_wait3A_122 : memref<1x8x224xf32, #tpu.memory_space<hbm>> -> memref<8x224xf32, #tpu.memory_space<hbm>>
      %dma_wait3A_124 = arith.constant 208 : i32
      %dma_wait3A_125 = arith.constant 0 : i32
      %dma_wait3A_126 = tpu.memref_slice %arg5[%add3A_119, %dma_wait3A_124, %dma_wait3A_125] : memref<384x224x224xf32, #tpu.memory_space<hbm>> -> memref<1x8x224xf32, #tpu.memory_space<hbm>>
      %dma_wait3A_127 = tpu.memref_squeeze %dma_wait3A_126 : memref<1x8x224xf32, #tpu.memory_space<hbm>> -> memref<8x224xf32, #tpu.memory_space<hbm>>
      tpu.wait_dma2 semaphore(%arg19 : memref<!tpu.dma_semaphore, #tpu.memory_space<semaphore_mem>>) src(%arg14 : memref<8x224xf32, #tpu.memory_space<vmem>>) dst(%dma_wait3A_127 : memref<8x224xf32, #tpu.memory_space<hbm>>)
      %dma_wait3A_128 = arith.constant 216 : i32
      %dma_wait3A_129 = arith.constant 0 : i32
      %dma_wait3A_130 = tpu.memref_slice %arg5[%add3A_46, %dma_wait3A_128, %dma_wait3A_129] : memref<384x224x224xf32, #tpu.memory_space<hbm>> -> memref<1x8x224xf32, #tpu.memory_space<hbm>>
      %dma_wait3A_131 = tpu.memref_squeeze %dma_wait3A_130 : memref<1x8x224xf32, #tpu.memory_space<hbm>> -> memref<8x224xf32, #tpu.memory_space<hbm>>
      %dma_wait3A_132 = arith.constant 216 : i32
      %dma_wait3A_133 = arith.constant 0 : i32
      %dma_wait3A_134 = tpu.memref_slice %arg5[%add3A_46, %dma_wait3A_132, %dma_wait3A_133] : memref<384x224x224xf32, #tpu.memory_space<hbm>> -> memref<1x8x224xf32, #tpu.memory_space<hbm>>
      %dma_wait3A_135 = tpu.memref_squeeze %dma_wait3A_134 : memref<1x8x224xf32, #tpu.memory_space<hbm>> -> memref<8x224xf32, #tpu.memory_space<hbm>>
      tpu.wait_dma2 semaphore(%arg20 : memref<!tpu.dma_semaphore, #tpu.memory_space<semaphore_mem>>) src(%arg13 : memref<8x224xf32, #tpu.memory_space<vmem>>) dst(%dma_wait3A_135 : memref<8x224xf32, #tpu.memory_space<hbm>>)
      %add3A_136 = arith.constant 1 : i32
      %add3A_137 = arith.addi %add3A_46, %add3A_136 : i32
      %dma_wait3A_138 = arith.constant 216 : i32
      %dma_wait3A_139 = arith.constant 0 : i32
      %dma_wait3A_140 = tpu.memref_slice %arg5[%add3A_137, %dma_wait3A_138, %dma_wait3A_139] : memref<384x224x224xf32, #tpu.memory_space<hbm>> -> memref<1x8x224xf32, #tpu.memory_space<hbm>>
      %dma_wait3A_141 = tpu.memref_squeeze %dma_wait3A_140 : memref<1x8x224xf32, #tpu.memory_space<hbm>> -> memref<8x224xf32, #tpu.memory_space<hbm>>
      %dma_wait3A_142 = arith.constant 216 : i32
      %dma_wait3A_143 = arith.constant 0 : i32
      %dma_wait3A_144 = tpu.memref_slice %arg5[%add3A_137, %dma_wait3A_142, %dma_wait3A_143] : memref<384x224x224xf32, #tpu.memory_space<hbm>> -> memref<1x8x224xf32, #tpu.memory_space<hbm>>
      %dma_wait3A_145 = tpu.memref_squeeze %dma_wait3A_144 : memref<1x8x224xf32, #tpu.memory_space<hbm>> -> memref<8x224xf32, #tpu.memory_space<hbm>>
      tpu.wait_dma2 semaphore(%arg20 : memref<!tpu.dma_semaphore, #tpu.memory_space<semaphore_mem>>) src(%arg15 : memref<8x224xf32, #tpu.memory_space<vmem>>) dst(%dma_wait3A_145 : memref<8x224xf32, #tpu.memory_space<hbm>>)
      %scan3A_146 = arith.constant 0 : i32
      scf.yield %scan3A_146 : i32
    }
    %scan3A_38 = arith.constant 6 : i32
    return
  }
}

</mosaic_0001>

<sc_bundles>
// kernel: kernel.3.cloned.1.call-start
scs
__scs_entry_jumppad:
0x0: {  	(pc) =	sbr.rel $0x88, $3  }
0x1: {  	(tag) =	ssettag $0x0;
	lr =	simm.s32 $0x1  }
0x2: {  	[smem:$0x3F9F] =	sst lr;
	_ =	strace $0xD0000000  }
0x3: {  	_ = 	snop  }
0x4: {  	_ = 	snop  }
0x5: {  	_ = 	snop  }
0x6: {  	_ = 	snop  }
0x7: {  	_ = 	snop  }
__scs_overlays_trampoline_lowered:
0x8: {  	[smem:$0x3FAE] =	sst s0  }
0x9: {  	[smem:$0x3FAF] =	sst s1  }
0xa: {  	[smem:$0x3FB0] =	sst s2  }
0xb: {  	[smem:$0x3FB1] =	sst s3  }
0xc: {  	[smem:$0x3FB2] =	sst s4  }
0xd: {  	[smem:$0x3FB3] =	sst s5  }
0xe: {  	[smem:$0x3FB4] =	sst s6  }
0xf: {  	[smem:$0x3FB5] =	sst s7  }
0x10: {  	[smem:$0x3FB6] =	sst s8  }
0x11: {  	[smem:$0x3FB7] =	sst s9;
	s0 =	simm.s32 @!p0 $0x0  }
0x12: {  	s1 =	sld [smem:$0x3F9D];
	s0 =	simm.s32 @p0 $0x1  }
0x13: {  	[smem:$0x3FB8] =	sst s0;
	s0 =	simm.s32 @!p1 $0x0  }
0x14: {  	s2 =	sld [smem:$0x3F9C];
	s0 =	simm.s32 @p1 $0x1  }
0x15: {  	[smem:$0x3FB9] =	sst s0;
	s0 =	simm.s32 @!p2 $0x0  }
0x16: {  	s3 =	sld [smem:$0x3FDB];
	s0 =	simm.s32 @p2 $0x1  }
0x17: {  	s4 =	simm.s32 $0x1BF5;
	[smem:$0x3FBB] =	sst s0  }
0x18: {  	s0 =	sld [smem:$0x3F9E];
	_ =	swait.ge [sflag:s4], $0x0  }
0x19: {  	s7 =	sld [smem:$0x3F9F]  }
0x1a: {  	s8 =	sadd.s32 $0xFFFFE003, lr  }
0x1b: {  	s9 =	sadd.s32 $0xFFFFFEF7, lr;
	s5 =	simm.s32 $0xFFFFFFFF;
	p2 =	slt.u32 s8, $0xFFFFF086  }
0x1c: {  	p1 =	slt.u32 s9, $0xF7A;
	s5 =	simm.s32 @!p2 $0x0  }
0x1d: {  	s5 =	simm.s32 @p1 $0x1;
	p0 =	seq.s32 s7, s2  }
0x1e: {  	s7 =	smul.u32 @!p0 $0xF7A, s2;
	p2 =	seq.s32 @!p0 s5, $0x0  }
0x1f: {  	s9 =	smul.u32 $0xF7A, s1;
	s8 =	simm.s32 @!p0 $0x1BF5;
	p2 =	por !p2, p0  }
0x20: {  	[sflag:s8] =	ssyncset.s32 @!p0 $0xFFFFF086;
	s6 =	sadd.s32 @!p0 s3, s7;
	s7 =	simm.s32 @!p0 $0x108  }
0x21: {  	s3 =	sadd.s32 s3, s9;
	s6 =	sadd.s32 @!p0 $0x88, s6;
	s7 =	simm.s32 @p2 $0x1082  }
0x22: {  	[simem:s7], [sflag:s8] =	dma.local @!p0 [hbm:s6], $0xF7A  }
0x23: {  	s9 =	sor.u32 $0xD0000000, s2;
	s6 =	simm.s32 $0x108;
	_ =	swait.ge @!p0 [sflag:s8], $0x0  }
0x24: {  	s3 =	sadd.s32 $0x88, s3;
	s6 =	simm.s32 @!p1 $0x1082;
	[sflag:s4] =	ssyncset.s32 $0xFFFFF086  }
0x25: {  	[simem:s6], [sflag:s4] =	dma.local [hbm:s3], $0xF7A  }
0x26: {  	[smem:$0x3F9F] =	sst s1;
	(tag) =	ssettag s2;
	_ =	strace s9  }
0x27: {  	s1 =	sld [smem:$0x3FAF]  }
0x28: {  	s2 =	sld [smem:$0x3FB0]  }
0x29: {  	s4 =	sld [smem:$0x3FB2]  }
0x2a: {  	p0 =	seq.s32 s5, $0x0;
	s5 =	sld [smem:$0x3FB3]  }
0x2b: {  	s6 =	sld [smem:$0x3FB4]  }
0x2c: {  	s7 =	sld [smem:$0x3FB5]  }
0x2d: {  	s3 =	simm.s32 $0x108;
	s8 =	sld [smem:$0x3FB6]  }
0x2e: {  	s3 =	simm.s32 @!p0 $0x1082;
	s9 =	sld [smem:$0x3FB7]  }
0x2f: {  	lr =	sadd.s32 s0, s3;
	s0 =	sld [smem:$0x3FAE]  }
0x30: {  	s3 =	sld [smem:$0x3FB1]  }
0x31: {  	[smem:$0x3FBA] =	sst s10  }
0x32: {  	s10 =	sld [smem:$0x3FB8];
	_ =	sdelay $0x3  }
0x33: {  	p0 =	seq.s32 s10, $0x1;
	s10 =	sld [smem:$0x3FBA];
	_ =	sdelay $0x3  }
0x34: {  	[smem:$0x3FBA] =	sst s10  }
0x35: {  	s10 =	sld [smem:$0x3FB9];
	_ =	sdelay $0x3  }
0x36: {  	p1 =	seq.s32 s10, $0x1;
	s10 =	sld [smem:$0x3FBA];
	_ =	sdelay $0x3  }
0x37: {  	[smem:$0x3FBA] =	sst s10  }
0x38: {  	s10 =	sld [smem:$0x3FBB]  }
0x39: {  	_ = 	snop;
	(pc) =	sbr.ind lr, $3  }
0x3a: {  	_ = 	snop  }
0x3b: {  	_ = 	snop  }
0x3c: {  	p2 =	seq.s32 s10, $0x1;
	s10 =	sld [smem:$0x3FBA]  }
0x3d: {  	_ =	shalt  }
0x3e: {  	_ =	shalt  }
0x3f: {  	_ =	shalt  }
0x40: {  	_ =	shalt  }
0x41: {  	_ =	shalt  }
0x42: {  	_ =	shalt  }
0x43: {  	_ =	shalt  }
0x44: {  	_ =	shalt  }
0x45: {  	_ =	shalt  }
0x46: {  	_ =	shalt  }
0x47: {  	_ =	shalt  }
0x48: {  	_ =	shalt  }
0x49: {  	_ =	shalt  }
0x4a: {  	_ =	shalt  }
0x4b: {  	_ =	shalt  }
0x4c: {  	_ =	shalt  }
0x4d: {  	_ =	shalt  }
0x4e: {  	_ =	shalt  }
0x4f: {  	_ =	shalt  }
0x50: {  	_ =	shalt  }
0x51: {  	_ =	shalt  }
0x52: {  	_ =	shalt  }
0x53: {  	_ =	shalt  }
0x54: {  	_ =	shalt  }
0x55: {  	_ =	shalt  }
0x56: {  	_ =	shalt  }
0x57: {  	_ =	shalt  }
0x58: {  	_ =	shalt  }
0x59: {  	_ =	shalt  }
0x5a: {  	_ =	shalt  }
0x5b: {  	_ =	shalt  }
0x5c: {  	_ =	shalt  }
0x5d: {  	_ =	shalt  }
0x5e: {  	_ =	shalt  }
0x5f: {  	_ =	shalt  }
0x60: {  	_ =	shalt  }
0x61: {  	_ =	shalt  }
0x62: {  	_ =	shalt  }
0x63: {  	_ =	shalt  }
0x64: {  	_ =	shalt  }
0x65: {  	_ =	shalt  }
0x66: {  	_ =	shalt  }
0x67: {  	_ =	shalt  }
0x68: {  	_ =	shalt  }
0x69: {  	_ =	shalt  }
0x6a: {  	_ =	shalt  }
0x6b: {  	_ =	shalt  }
0x6c: {  	_ =	shalt  }
0x6d: {  	_ =	shalt  }
0x6e: {  	_ =	shalt  }
0x6f: {  	_ =	shalt  }
0x70: {  	_ =	shalt  }
0x71: {  	_ =	shalt  }
0x72: {  	_ =	shalt  }
0x73: {  	_ =	shalt  }
0x74: {  	_ =	shalt  }
0x75: {  	_ =	shalt  }
0x76: {  	_ =	shalt  }
0x77: {  	_ =	shalt  }
0x78: {  	_ =	shalt  }
0x79: {  	_ =	shalt  }
0x7a: {  	_ =	shalt  }
0x7b: {  	_ =	shalt  }
0x7c: {  	_ =	shalt  }
0x7d: {  	_ =	shalt  }
0x7e: {  	_ =	shalt  }
0x7f: {  	_ =	shalt  }
0x80: {  	_ =	shalt  }
0x81: {  	_ =	shalt  }
0x82: {  	_ =	shalt  }
0x83: {  	_ =	shalt  }
0x84: {  	_ =	shalt  }
0x85: {  	_ =	shalt  }
0x86: {  	_ =	shalt  }
0x87: {  	_ =	shalt  }
.Lfunc_end0:
.L_simem_size_0:
called_computation_lowered:
.L_overlay_start_0:
0x88: {  	s2 =	sld [smem:$0x3FD9]  }
0x89: {  	s3 =	sld [smem:$0x3FFE];
	_ =	sdelay $0x1  }
0x8a: {  	s1 =	srdreg.scid  }
0x8b: {  	s0 =	sand.u32 $0x1, s1  }
0x8c: {  	s17 =	sshll.u32 s0, $0xA;
	s2 =	sadd.s32 s3, s2  }
0x8d: {  	s2 =	sadd.s32 s2, s17  }
0x8e: {  	[smem:$0x3FC6] =	sst s2  }
0x8f: {  	_ = 	snop  }
0x90: {  	s2 =	sld [smem:$0x3FC9]  }
0x91: {  	s18 =	sld [smem:$0x3FD0];
	(tm) =	ssettm $0x1  }
0x92: {  	s4 =	sld [smem:$0x3FFB];
	_ =	sdelay $0x3  }
0x93: {  	_ =	strace s4  }
0x94: {  	s4 =	sld [smem:$0x3FFC];
	_ =	sdelay $0x3  }
0x95: {  	_ =	strace s4  }
0x96: {  	s4 =	sld [smem:$0x3FFD];
	_ =	sdelay $0x3  }
0x97: {  	_ =	strace s4  }
0x98: {  	_ =	strace $0x8FFFFFFF  }
0x99: {  	s19 =	sld [smem:$0x3FDB];
	_ =	sdelay $0x1  }
0x9a: {  	s5 =	simm.s32 $_scs_section_size  }
0x9b: {  	s6 =	simm.s32 $_size__tile_overlayer_lowered;
	s7 =	simm.s32 $_tile_overlayer_lowered  }
0x9c: {  	s22 =	simm.s32 $0x1BFF;
	s21 =	sshll.u32 s7, $0x1;
	s4 =	sadd.s32 s5, s19  }
0x9d: {  	s8 =	simm.s32 $0x0;
	s20 =	sshll.u32 s6, $0x1;
	s6 =	sadd.s32 s21, s4  }
0x9e: {  	[timem:s8], [sflag:s22] =	dma.local [hbm:s6], s20  }
0x9f: {  	_ =	swait.ge [sflag:s22], s20  }
0xa0: {  	s5 =	ssub.s32 $0x0, s20;
	[sflag:s22] =	ssyncset.done $0x0  }
0xa1: {  	[sflag:s22] =	ssyncadd.s32 s5;
	_ =	sdelay $0x1  }
0xa2: {  	s23 =	simm.s32 $0x1B8B  }
0xa3: {  	_ =	swait.ge [sflag:s23], $0x1  }
0xa4: {  	[sflag:s23] =	ssyncset.done $0x0  }
0xa5: {  	s25 =	simm.s32 $0x1B8E;
	s24 =	sld [smem:$0x3FFE];
	[sflag:s23] =	ssyncadd.s32 $0xFFFFFFFF  }
0xa6: {  	s26 =	simm.s32 $execute0_lowered;
	[smem:$0x3FD2] =	sst s25  }
0xa7: {  	s6 =	sshll.u32 s26, $0x1;
	_ =	strace $0x80000046;
	[dreg:$0x1] =	wrdreg $0xFFFFFFFF  }
0xa8: {  	s28 =	simm.s32 $_size_execute0_lowered;
	s4 =	sadd.s32 s4, s6;
	[dreg:$0x0] =	wrdreg $0x0  }
0xa9: {  	s6 =	sshll.u32 s28, $0x1;
	[dreg:$0x2] =	wrdreg s4  }
0xaa: {  	[dreg:$0x3] =	wrdreg s6  }
0xab: {  	[dreg:$0x4] =	wrdreg $0xC0  }
0xac: {  	_ =	task [dreg:s8], $0x5FFFF  }
0xad: {  	[dreg:$0x1] =	wrdreg $0xFFFFFFFF  }
0xae: {  	[dreg:$0x0] =	wrdreg $0x60  }
0xaf: {  	[dreg:$0x2] =	wrdreg s2  }
0xb0: {  	[dreg:$0x3] =	wrdreg s24  }
0xb1: {  	[dreg:$0x4] =	wrdreg s18  }
0xb2: {  	[dreg:$0x5] =	wrdreg $0x9  }
0xb3: {  	_ =	task.clear_ibuf [dreg:s8], $0x6FFFF;
	_ =	strace $0x90000046  }
0xb4: {  	s29 =	simm.s32 $0x9;
	_ =	strace $0x80000048  }
0xb5: {  	_ =	swait.ge [sflag:s29], $0x1  }
0xb6: {  	[sflag:s29] =	ssyncadd.s32 $0xFFFFFFFF  }
0xb7: {  	_ =	strace $0x90000048  }
0xb8: {  	_ =	sfence  }
0xb9: {  	s30 =	sld [smem:$0x0];
	_ =	sdelay $0x2  }
0xba: {  	s31 =	sshll.u32 s1, $0xD;
	s1 =	sshrl.u32 s1, $0x2  }
0xbb: {  	s3 =	sand.u32 $0x4000, s31;
	s1 =	sadd.s32 s1, s30  }
0xbc: {  	s0 =	sor.u32 s3, s0;
	s1 =	sshll.u32 s1, $0x11  }
0xbd: {  	s0 =	sor.u32 s1, s0  }
0xbe: {  	s0 =	sadd.s32 $0x8F2B, s0  }
0xbf: {  	[sflag:s0] =	ssyncadd.remote.s32 $0x1  }
0xc0: {  	_ =	sfence.sel $0xFFFF  }
0xc1: {  	[dreg:$0x0] =	wrdreg $0xFFFFFFFF;
	(pc) =	sbr.abs _section_cstart, $3  }
0xc2: {  	[dreg:$0x1] =	wrdreg $0xFFFFFFFF  }
0xc3: {  	_ =	task.clear_ibuf [dreg:s8], $0x2FFFF;
	_ =	strace $0x9FFFFFFF  }
0xc4: {  	(tm) =	ssettm $0x7FFFFFFF  }
0xc5: {  	_ =	shalt  }
tec
execute0_lowered:
.L_overlay_start_1:
0x0: {  	(tag) =	ssettag $0x1  }
0x1: {  	s2 =	stileid.u32;
	s3 =	rddreg [dreg:$0x1]  }
0x2: {  	s0 =	srdreg.scid;
	s4 =	rddreg [dreg:$0x2];
	s5 =	simm.s32 $0x0  }
0x3: {  	s14 =	simm.s32 $0xE000;
	s1 =	sshll.u32 s2, $0x1;
	s0 =	sand.u32 $0x1, s0  }
0x4: {  	s2 =	sshrl.u32 s2, $0x2;
	[smem:$0x7FF] =	sst s5;
	s6 =	sadd.s32 $0x6200, s3  }
0x5: {  	s1 =	sand.u32 $0x6, s1;
	s7 =	smul.u32 $0xC400, s2;
	_ =	strace $0x80000047  }
0x6: {  	s2 =	smul.u32 $0x60, s2;
	s1 =	sor.u32 s0, s1;
	s0 =	ssub.s32 $0x2, s0  }
0x7: {  	s1 =	smul.u32 $0xC, s1;
	s9 =	sshrl.u32 s7, $0x3;
	s31 =	sadd.s32 $0xE00, s7  }
0x8: {  	s8 =	sshrl.u32 s0, $0x1;
	s28 =	sadd.s32 s6, s9;
	[dreg:$0x9] =	wrdreg s31  }
0x9: {  	s26 =	sadd.s32 $0xE0, s9;
	s29 =	sadd.s32 s3, s9;
	[dreg:$0x5] =	wrdreg s28  }
.Ltmp0:
0xa: {  	s1 =	sadd.s32 s2, s1;
	[dreg:$0x6] =	wrdreg s29;
	(pc) =	sbr.rel .LBB2_1-.Ltmp0, $4  }
0xb: {  	s0 =	ssub.s32 s0, s8;
	s30 =	sadd.s32 s6, s26;
	[dreg:$0x4] =	wrdreg s1  }
0xc: {  	s20 =	simm.s32 $0x2;
	s0 =	smax.u32 s0, $0x1;
	[dreg:$0x7] =	wrdreg s30  }
0xd: {  	s23 =	simm.s32 $0x3;
	s1 =	sadd.s32 s3, s26;
	[dreg:$0xa] =	wrdreg s0  }
0xe: {  	s12 =	smov.u32 s6;
	[dreg:$0x8] =	wrdreg s1;
	s1 =	simm.s32 $0x0  }
.LBB2_10:
0xf: {  	s1 =	rddreg [dreg:$0xb]  }
0x10: {  	s0 =	rddreg [dreg:$0xa];
	s1 =	sadd.s32 $0x1, s1  }
0x11: {  	p0 =	sne.s32 s1, s0  }
.Ltmp1:
0x12: {  	_ = 	snop;
	(pc) =	sbr.rel @!p0 .LBB2_11-.Ltmp1, $1  }
0x13: {  	_ =	sdelay $0x3  }
.LBB2_1:
.Ltmp2:
0x14: {  	(pc) =	sbr.rel .LBB2_2-.Ltmp2, $2  }
0x15: {  	_ =	sdelay $0x2  }
0x16: {  	[dreg:$0xb] =	wrdreg s1;
	s1 =	simm.s32 $0x0  }
.LBB2_9:
0x17: {  	s0 =	simm.s32 $0x4  }
0x18: {  	_ =	swait.ge [sflag:s0], $0x800  }
0x19: {  	[sflag:s0] =	ssyncset.done $0x0  }
0x1a: {  	[sflag:s0] =	ssyncadd.s32 $0xFFFFF800  }
0x1b: {  	_ =	swait.ge [sflag:s0], $0x800  }
0x1c: {  	[sflag:s0] =	ssyncset.done $0x0  }
0x1d: {  	s31 =	simm.s32 $0x5;
	[sflag:s0] =	ssyncadd.s32 $0xFFFFF800  }
0x1e: {  	_ =	swait.ge [sflag:s31], $0x800  }
0x1f: {  	[sflag:s31] =	ssyncset.done $0x0  }
0x20: {  	[sflag:s31] =	ssyncadd.s32 $0xFFFFF800  }
0x21: {  	_ =	swait.ge [sflag:s31], $0x800  }
0x22: {  	s1 =	rddreg [dreg:$0xc]  }
0x23: {  	s1 =	sadd.s32 $0x1, s1  }
0x24: {  	p0 =	sne.s32 s1, $0x6  }
.Ltmp3:
0x25: {  	_ = 	snop;
	(pc) =	sbr.rel @!p0 .LBB2_10-.Ltmp3, $3  }
0x26: {  	_ =	sdelay $0x1  }
0x27: {  	[sflag:s31] =	ssyncset.done $0x0  }
0x28: {  	[sflag:s31] =	ssyncadd.s32 $0xFFFFF800  }
.LBB2_2:
0x29: {  	s0 =	sshll.u32 s1, $0x1;
	s17 =	rddreg [dreg:$0x4]  }
0x2a: {  	s0 =	sadd.s32 s0, s17  }
0x2b: {  	s31 =	smul.u32 $0xE000, s0;
	_ =	sdelay $0x1  }
0x2c: {  	s2 =	rddreg [dreg:$0x0];
	s0 =	sshrl.u32 s31, $0x3  }
0x2d: {  	s3 =	simm.s32 $0x0;
	s0 =	sadd.s32 s2, s0  }
0x2e: {  	[tilespmem:s3], [sflag:$0x1] =	stream.linear.gather [hbm4b:s0+s3], $0xE000, $0x38;
	[tilespmem:$0x1FC00] =	vst v63  }
0x2f: {  	s0 =	sadd.s32 $0xE000, s31  }
0x30: {  	s18 =	sshrl.u32 s0, $0x3  }
0x31: {  	[dreg:$0xc] =	wrdreg s1;
	s1 =	sadd.s32 s2, s18  }
0x32: {  	[tilespmem:s14], [sflag:$0x1] =	stream.linear.gather [hbm4b:s1+s3], $0xE000, $0x38;
	[tilespmem:$0x1FC00] =	vst v63  }
0x33: {  	s19 =	rddreg [dreg:$0x5];
	s21 =	simm.s32 $0x1C000  }
0x34: {  	[tilespmem:s21], [sflag:$0x2] =	stream.linear.gather [hbm4b:s19+s3], $0x700, $0x38;
	[tilespmem:$0x1FC00] =	vst v63  }
0x35: {  	s22 =	rddreg [dreg:$0x6];
	s24 =	simm.s32 $0x1CE00  }
0x36: {  	[tilespmem:s24], [sflag:$0x2] =	stream.linear.gather [hbm4b:s22+s3], $0x700, $0x38;
	[tilespmem:$0x1FC00] =	vst v63  }
0x37: {  	s25 =	rddreg [dreg:$0x7];
	s26 =	simm.s32 $0x1C700  }
0x38: {  	[tilespmem:s26], [sflag:$0x3] =	stream.linear.gather [hbm4b:s25+s3], $0x700, $0x38;
	[tilespmem:$0x1FC00] =	vst v63  }
0x39: {  	s28 =	rddreg [dreg:$0x8];
	s29 =	simm.s32 $0x1D500;
	s30 =	simm.s32 $0x1  }
0x3a: {  	[tilespmem:s29], [sflag:$0x3] =	stream.linear.gather [hbm4b:s28+s3], $0x700, $0x38;
	[tilespmem:$0x1FC00] =	vst v63  }
0x3b: {  	_ =	swait.ge [sflag:s30], $0xE000  }
0x3c: {  	[sflag:s30] =	ssyncset.done $0x0  }
0x3d: {  	[sflag:s30] =	ssyncadd.s32 $0xFFFF2000  }
0x3e: {  	_ =	swait.ge [sflag:s30], $0xE000  }
0x3f: {  	[sflag:s30] =	ssyncset.done $0x0  }
0x40: {  	s13 =	simm.s32 $0x0;
	[sflag:s30] =	ssyncadd.s32 $0xFFFF2000  }
.LBB2_3:
0x41: {  	_ =	swait.ge [sflag:s20], $0x700  }
0x42: {  	[sflag:s20] =	ssyncset.done $0x0  }
0x43: {  	[sflag:s20] =	ssyncadd.s32 $0xFFFFF900  }
0x44: {  	_ =	swait.ge [sflag:s20], $0x700  }
0x45: {  	p0 =	seq.s32 s13, $0x0;
	[sflag:s20] =	ssyncset.done $0x0  }
0x46: {  	s7 =	simm.s32 $0x0;
	s1 =	simm.s32 @!p0 $0x4;
	[sflag:s20] =	ssyncadd.s32 $0xFFFFF900  }
0x47: {  	s8 =	sand.u32 $0x4, s7;
	_ =	swait.ge @!p0 [sflag:s1], $0x800  }
0x48: {  	s2 =	simm.s32 $0x0;
	s7 =	smul.u32 $0xE0, s8;
	[sflag:s1] =	ssyncset.done @!p0 $0x0  }
0x49: {  	s11 =	sand.u32 $0xF0, s2;
	s9 =	sor.u32 $0x1, s8;
	[sflag:s1] =	ssyncadd.s32 @!p0 $0xFFFFF800  }
0x4a: {  	s15 =	smul.u32 $0xE0, s9;
	s7 =	sadd.s32 s11, s7;
	_ =	swait.ge @!p0 [sflag:s1], $0x800  }
0x4b: {  	s10 =	sand.u32 $0x780, s7;
	s7 =	sand.u32 $0x70, s2;
	[sflag:s1] =	ssyncset.done @!p0 $0x0  }
0x4c: {  	s16 =	sor.u32 s7, s10;
	s10 =	sor.u32 $0x2, s8;
	[sflag:s1] =	ssyncadd.s32 @!p0 $0xFFFFF800  }
0x4d: {  	s17 =	smul.u32 $0xE0, s10;
	v0 =	vld [tilespmem:s16+$0x1C000]  }
0x4e: {  	s15 =	sadd.s32 s11, s15;
	s1 =	sor.u32 $0x3, s8;
	v1 =	vld [tilespmem:s16+$0x1CE00]  }
0x4f: {  	s17 =	sadd.s32 s11, s17;
	s6 =	smul.u32 $0xE0, s1;
	v2 =	vld [tilespmem:s15+$0x1C000]  }
0x50: {  	v3 =	vld [tilespmem:s17+$0x1C000]  }
0x51: {  	v5 =	vld [tilespmem:s15+$0x1CE00];
	s11 =	sadd.s32 s11, s6  }
0x52: {  	v8 =	vld [tilespmem:s11+$0x1CE00];
	v0 =	vadd.f32 $1.000000000e+00, v0  }
0x53: {  	v4 =	vld [tilespmem:s11+$0x1C000];
	v1 =	vadd.f32 $1.000000000e+00, v1  }
0x54: {  	v6 =	vld [tilespmem:s17+$0x1CE00];
	v7 =	vmul.f32 $1.115000000e+02, v0  }
0x55: {  	v0 =	vadd.f32 $1.000000000e+00, v2;
	v9 =	vmul.f32 $1.115000000e+02, v1;
	v1 =	vadd.f32 $1.000000000e+00, v3  }
0x56: {  	v5 =	vadd.f32 $1.000000000e+00, v5;
	v2 =	vtrunc.f32 v7  }
0x57: {  	v8 =	vadd.f32 $1.000000000e+00, v8;
	v0 =	vmul.f32 $1.115000000e+02, v0;
	v1 =	vmul.f32 $1.115000000e+02, v1  }
0x58: {  	v3 =	vadd.f32 $1.000000000e+00, v4;
	v4 =	vcvt.f32.s32 v2;
	v2 =	vtrunc.f32 v9  }
0x59: {  	v6 =	vadd.f32 $1.000000000e+00, v6;
	v8 =	vmul.f32 $1.115000000e+02, v8;
	v10 =	vcvt.f32.s32 v2  }
0x5a: {  	v2 =	vmul.f32 $1.115000000e+02, v3;
	v3 =	vmul.f32 $1.115000000e+02, v5;
	vm0 =	vgt.s32 v4, $0x0  }
0x5b: {  	v22 =	vtrunc.f32 v8;
	v4 =	vnsel vm0, $0x0, v4;
	vm15 =	vgt.s32 v10, $0x0  }
0x5c: {  	v19 =	vtrunc.f32 v3;
	v22 =	vcvt.f32.s32 v22;
	v5 =	vmin.u32 v4, $0xDE  }
0x5d: {  	v10 =	vnsel vm15, $0x0, v10;
	v4 =	vmul.f32 $1.115000000e+02, v6;
	v19 =	vcvt.f32.s32 v19  }
0x5e: {  	v6 =	vmin.u32 v10, $0xDE;
	v10 =	vcvt.s32.f32 v5;
	v12 =	vand.u32 $0x7F, v5  }
0x5f: {  	v14 =	vadd.s32 $0x1, v5;
	v5 =	vshll.u32 v5, $0x3;
	vm7 =	vgt.s32 v22, $0x0  }
0x60: {  	v11 =	vadd.s32 $0x1, v6;
	v13 =	vshll.u32 v6, $0x7;
	v15 =	vshll.u32 v6, $0x8  }
0x61: {  	v5 =	vand.u32 $0x400, v5;
	v16 =	vand.u32 $0x7F, v14;
	v14 =	vshll.u32 v14, $0x3  }
0x62: {  	v6 =	vcvt.s32.f32 v6;
	v21 =	vtrunc.f32 v4;
	vm5 =	vgt.s32 v19, $0x0  }
0x63: {  	v15 =	vand.u32 $0xF800, v15;
	v5 =	vor.u32 v12, v5;
	v12 =	vand.u32 $0xC00, v14  }
0x64: {  	v13 =	vand.u32 $0x380, v13;
	v7 =	vsub.f32 v7, v10;
	v10 =	vtrunc.f32 v1  }
0x65: {  	v21 =	vcvt.f32.s32 v21;
	v14 =	vor.u32 v15, v5;
	v15 =	vadd.s32 v12, v15  }
0x66: {  	v14 =	vor.u32 v13, v14;
	v13 =	vor.u32 v13, v15;
	v15 =	vshll.u32 v11, $0x8  }
0x67: {  	v11 =	vshll.u32 v11, $0x7;
	v13 =	vor.u32 v16, v13;
	v15 =	vand.u32 $0x1F800, v15  }
0x68: {  	v19 =	vnsel vm5, $0x0, v19;
	v11 =	vand.u32 $0x380, v11;
	v5 =	vor.u32 v15, v5  }
0x69: {  	v6 =	vsub.f32 v9, v6;
	v12 =	vadd.s32 v12, v15;
	v5 =	vor.u32 v11, v5  }
0x6a: {  	v10 =	vcvt.f32.s32 v10;
	v19 =	vmin.u32 v19, $0xDE;
	v9 =	vor.u32 v11, v12  }
0x6b: {  	v18 =	vsub.f32 $1.000000000e+00, v7;
	v9 =	vor.u32 v16, v9;
	v16 =	vmul.f32 v6, v7;
	v12 =	vld.idx.msk [tilespmem:v14+s5+$0x0], $0xffff  }
0x6c: {  	vm6 =	vgt.s32 v21, $0x0;
	v33 =	vcvt.s32.f32 v19;
	vm1 =	vgt.s32 v10, $0x0;
	v17 =	vld.idx.msk [tilespmem:v13+s5+$0x0], $0xffff  }
0x6d: {  	v15 =	vtrunc.f32 v0;
	v10 =	vnsel vm1, $0x0, v10;
	v6 =	vsub.f32 v6, v16  }
0x6e: {  	v11 =	vtrunc.f32 v2;
	v15 =	vcvt.f32.s32 v15;
	v10 =	vmin.u32 v10, $0xDE;
	v20 =	vld.idx.msk [tilespmem:v5+s5+$0x0], $0xffff  }
0x6f: {  	v11 =	vcvt.f32.s32 v11;
	v7 =	vsub.f32 v7, v16;
	v18 =	vsub.f32 v18, v6  }
0x70: {  	v3 =	vsub.f32 v3, v33;
	v29 =	vshll.u32 v10, $0x3;
	vm4 =	vgt.s32 v15, $0x0;
	v23 =	vld.idx.msk [tilespmem:v9+s5+$0x0], $0xffff  }
0x71: {  	vm2 =	vgt.s32 v11, $0x0;
	v12 =	vmul.f32 v18, v12;
	v17 =	vmul.f32 v7, v17  }
0x72: {  	v34 =	vcvt.s32.f32 v10;
	v15 =	vnsel vm4, $0x0, v15;
	v11 =	vnsel vm2, $0x0, v11  }
0x73: {  	v15 =	vmin.u32 v15, $0xDE;
	v12 =	vadd.f32 v12, v17;
	v17 =	vmul.f32 v6, v20  }
0x74: {  	v29 =	vand.u32 $0x400, v29;
	v11 =	vmin.u32 v11, $0xDE;
	v30 =	vcvt.s32.f32 v15  }
0x75: {  	v36 =	vcvt.s32.f32 v11;
	v12 =	vadd.f32 v12, v17;
	v17 =	vmul.f32 v16, v23  }
0x76: {  	s19 =	sand.u32 $0x400, s2;
	s8 =	sshll.u32 s8, $0x7;
	v27 =	vshll.u32 v15, $0x3;
	v32 =	vshll.u32 v11, $0x3;
	v47 =	vsub.f32 v0, v30  }
0x77: {  	s8 =	sor.u32 s8, s19;
	v27 =	vand.u32 $0x400, v27;
	v48 =	vsub.f32 v2, v36;
	v12 =	vadd.f32 v12, v17  }
0x78: {  	s17 =	sor.u32 s7, s8;
	v20 =	vnsel vm6, $0x0, v21;
	v21 =	vnsel vm7, $0x0, v22;
	v22 =	vadd.s32 $0x1, v10  }
0x79: {  	v20 =	vmin.u32 v20, $0xDE;
	v21 =	vmin.u32 v21, $0xDE;
	v25 =	vshll.u32 v22, $0x3;
	[tilespmem:s17+$0x1DC00] =	vst v12  }
0x7a: {  	v22 =	vand.u32 $0x7F, v22;
	v23 =	vadd.s32 $0x1, v11;
	v28 =	vshll.u32 v20, $0x8;
	v14 =	vld.idx.msk [tilespmem:v14+s14+$0x0], $0xffff  }
0x7b: {  	v31 =	vshll.u32 v21, $0x8;
	v35 =	vcvt.s32.f32 v20;
	v25 =	vand.u32 $0xC00, v25;
	v13 =	vld.idx.msk [tilespmem:v13+s14+$0x0], $0xffff  }
0x7c: {  	v37 =	vcvt.s32.f32 v21;
	v11 =	vand.u32 $0x7F, v11;
	v46 =	vshll.u32 v21, $0x7  }
0x7d: {  	v21 =	vadd.s32 $0x1, v21;
	v26 =	vshll.u32 v23, $0x3;
	v28 =	vand.u32 $0xF800, v28;
	v5 =	vld.idx.msk [tilespmem:v5+s14+$0x0], $0xffff  }
0x7e: {  	v50 =	vand.u32 $0x7F, v23;
	v17 =	vadd.s32 $0x1, v15;
	v26 =	vand.u32 $0xC00, v26  }
0x7f: {  	v15 =	vand.u32 $0x7F, v15;
	v30 =	vsub.f32 v4, v35;
	v24 =	vshll.u32 v17, $0x3;
	v9 =	vld.idx.msk [tilespmem:v9+s14+$0x0], $0xffff  }
0x80: {  	v12 =	vshll.u32 v19, $0x8;
	v14 =	vmul.f32 v18, v14;
	v7 =	vmul.f32 v7, v13  }
0x81: {  	v8 =	vsub.f32 v8, v37;
	v24 =	vand.u32 $0xC00, v24;
	v12 =	vand.u32 $0xF800, v12  }
0x82: {  	v13 =	vand.u32 $0xF800, v31;
	v5 =	vmul.f32 v6, v5;
	v7 =	vadd.f32 v14, v7  }
0x83: {  	v18 =	vshll.u32 v19, $0x7;
	v31 =	vand.u32 $0x400, v32;
	v6 =	vand.u32 $0x7F, v10  }
0x84: {  	v14 =	vshll.u32 v20, $0x7;
	v5 =	vadd.f32 v7, v5;
	v7 =	vmul.f32 v9, v16  }
0x85: {  	v9 =	vadd.s32 v24, v12;
	v16 =	vor.u32 v15, v27;
	v15 =	vadd.s32 v25, v28  }
0x86: {  	v27 =	vadd.s32 v26, v13;
	v4 =	vor.u32 v12, v16;
	v10 =	vadd.f32 v5, v7  }
0x87: {  	v5 =	vor.u32 v6, v29;
	v6 =	vor.u32 v11, v31;
	v7 =	vand.u32 $0x380, v18  }
0x88: {  	v11 =	vand.u32 $0x380, v14;
	v18 =	vand.u32 $0x380, v46;
	v29 =	vadd.s32 $0x1, v19  }
0x89: {  	v31 =	vadd.s32 $0x1, v20;
	v0 =	vor.u32 v7, v9;
	v9 =	vsub.f32 v1, v34  }
0x8a: {  	s29 =	simm.s32 $0x4;
	v1 =	vor.u32 v11, v15;
	v2 =	vor.u32 v18, v27;
	v15 =	vor.u32 v28, v5  }
0x8b: {  	s25 =	sand.u32 $0x4, s29;
	v27 =	vor.u32 v13, v6;
	v28 =	vand.u32 $0x7F, v17;
	v17 =	vshll.u32 v29, $0x8  }
0x8c: {  	s30 =	sor.u32 $0x2, s25;
	s2 =	smul.u32 $0xE0, s25;
	s15 =	simm.s32 $0x8;
	v49 =	vshll.u32 v31, $0x8;
	v20 =	vor.u32 v7, v4;
	v13 =	vor.u32 v28, v0  }
0x8d: {  	s21 =	smul.u32 $0xE0, s30;
	s18 =	sand.u32 $0xF0, s15;
	v0 =	vshll.u32 v21, $0x8;
	v12 =	vor.u32 v22, v1;
	v14 =	vor.u32 v50, v2  }
0x8e: {  	s8 =	sadd.s32 s18, s2;
	v19 =	vor.u32 v11, v15;
	v15 =	vor.u32 v18, v27;
	v4 =	vand.u32 $0x1F800, v17  }
0x8f: {  	s26 =	sand.u32 $0x70, s15;
	s21 =	sadd.s32 s18, s21;
	s8 =	sand.u32 $0x780, s8;
	v7 =	vand.u32 $0x1F800, v49;
	v1 =	vshll.u32 v29, $0x7;
	v2 =	vshll.u32 v31, $0x7  }
0x90: {  	v60 =	vld [tilespmem:s21+$0x1CE00];
	s8 =	sor.u32 s26, s8;
	v18 =	vshll.u32 v21, $0x7;
	v11 =	vand.u32 $0x1F800, v0;
	v0 =	vmul.f32 v3, v47  }
0x91: {  	v53 =	vld [tilespmem:s8+$0x1CE00];
	v16 =	vor.u32 v4, v16;
	v29 =	vand.u32 $0x380, v18;
	v6 =	vor.u32 v11, v6  }
0x92: {  	v23 =	vand.u32 $0x380, v1;
	v1 =	vor.u32 v7, v5;
	v18 =	vor.u32 v29, v6;
	v6 =	vld.idx.msk [tilespmem:v20+s5+$0x0], $0xffff  }
0x93: {  	v5 =	vand.u32 $0x380, v2;
	v2 =	vmul.f32 v8, v48;
	v24 =	vadd.s32 v24, v4;
	v21 =	vld.idx.msk [tilespmem:v13+s5+$0x0], $0xffff  }
0x94: {  	s28 =	sor.u32 $0x1, s25;
	v7 =	vadd.s32 v25, v7;
	v17 =	vor.u32 v23, v16;
	v16 =	vor.u32 v5, v1;
	v27 =	vld.idx.msk [tilespmem:v12+s5+$0x0], $0xffff  }
0x95: {  	s3 =	smul.u32 $0xE0, s28;
	s6 =	sor.u32 $0x3, s25;
	v1 =	vmul.f32 v30, v9;
	v11 =	vadd.s32 v26, v11;
	v23 =	vor.u32 v23, v24;
	v31 =	vld.idx.msk [tilespmem:v14+s5+$0x0], $0xffff  }
0x96: {  	s22 =	smul.u32 $0xE0, s6;
	v26 =	vsub.f32 $1.000000000e+00, v47;
	v7 =	vor.u32 v5, v7;
	v4 =	vsub.f32 v3, v0;
	v25 =	vld.idx.msk [tilespmem:v19+s5+$0x0], $0xffff  }
0x97: {  	v23 =	vor.u32 v28, v23;
	v5 =	vsub.f32 v8, v2;
	v8 =	vor.u32 v29, v11;
	v24 =	vld.idx.msk [tilespmem:v15+s5+$0x0], $0xffff  }
0x98: {  	v29 =	vor.u32 v22, v7;
	v7 =	vsub.f32 $1.000000000e+00, v9;
	v11 =	vsub.f32 v26, v4;
	v26 =	vld [tilespmem:s8+$0x1C000];
	s8 =	sadd.s32 s18, s3;
	s18 =	sadd.s32 s18, s22  }
0x99: {  	v22 =	vsub.f32 v47, v0;
	v3 =	vsub.f32 v30, v1;
	v47 =	vld [tilespmem:s18+$0x1CE00]  }
0x9a: {  	v36 =	vsub.f32 $1.000000000e+00, v48;
	v30 =	vor.u32 v50, v8;
	v51 =	vld.idx.msk [tilespmem:v17+s5+$0x0], $0xffff  }
0x9b: {  	v32 =	vadd.f32 $1.000000000e+00, v53;
	v8 =	vsub.f32 v7, v3;
	v28 =	vld.idx.msk [tilespmem:v16+s5+$0x0], $0xffff  }
0x9c: {  	v7 =	vsub.f32 v9, v1;
	v9 =	vsub.f32 v36, v5;
	v52 =	vld.idx.msk [tilespmem:v18+s5+$0x0], $0xffff;
	v54 =	vmul.f32 v11, v6  }
0x9d: {  	v55 =	vld.idx.msk [tilespmem:v23+s5+$0x0], $0xffff;
	v6 =	vsub.f32 v48, v2;
	v21 =	vmul.f32 v22, v21;
	v25 =	vmul.f32 v8, v25  }
0x9e: {  	v36 =	vadd.f32 $1.000000000e+00, v60;
	v56 =	vld.idx.msk [tilespmem:v29+s5+$0x0], $0xffff;
	v27 =	vmul.f32 v7, v27;
	v24 =	vmul.f32 v9, v24  }
0x9f: {  	v57 =	vld.idx.msk [tilespmem:v30+s5+$0x0], $0xffff;
	v26 =	vadd.f32 $1.000000000e+00, v26;
	v31 =	vmul.f32 v6, v31;
	v47 =	vadd.f32 $1.000000000e+00, v47  }
0xa0: {  	v21 =	vadd.f32 v54, v21;
	v34 =	vmul.f32 v4, v51;
	v25 =	vadd.f32 v25, v27  }
0xa1: {  	v27 =	vld [tilespmem:s8+$0x1C000];
	v28 =	vmul.f32 v3, v28;
	v26 =	vmul.f32 $1.115000000e+02, v26;
	v24 =	vadd.f32 v24, v31  }
0xa2: {  	v31 =	vmul.f32 v5, v52;
	v33 =	vmul.f32 v0, v55;
	v34 =	vadd.f32 v21, v34;
	v21 =	vld [tilespmem:s21+$0x1C000]  }
0xa3: {  	v58 =	vld [tilespmem:s18+$0x1C000];
	v59 =	vmul.f32 v1, v56;
	v38 =	vadd.f32 v25, v28;
	v28 =	vmul.f32 $1.115000000e+02, v32  }
0xa4: {  	v25 =	vld [tilespmem:s8+$0x1CE00];
	v37 =	vmul.f32 v2, v57;
	v31 =	vadd.f32 v24, v31;
	v24 =	vtrunc.f32 v26  }
0xa5: {  	v24 =	vcvt.f32.s32 v24;
	v39 =	vtrunc.f32 v28;
	v33 =	vadd.f32 v34, v33  }
0xa6: {  	v32 =	vadd.f32 v38, v59;
	v27 =	vadd.f32 $1.000000000e+00, v27;
	v39 =	vcvt.f32.s32 v39  }
0xa7: {  	v31 =	vadd.f32 v31, v37;
	vm8 =	vgt.s32 v24, $0x0;
	v40 =	vadd.f32 $1.000000000e+00, v21  }
0xa8: {  	v21 =	vmul.f32 $1.115000000e+02, v27;
	v27 =	vadd.f32 $1.000000000e+00, v58;
	vm9 =	vgt.s32 v39, $0x0  }
0xa9: {  	v61 =	vadd.f32 $1.000000000e+00, v25;
	v25 =	vnsel vm8, $0x0, v24;
	v39 =	vnsel vm9, $0x0, v39  }
0xaa: {  	v25 =	vmin.u32 v25, $0xDE;
	v24 =	vmul.f32 $1.115000000e+02, v40;
	v39 =	vmin.u32 v39, $0xDE  }
0xab: {  	v62 =	vcvt.s32.f32 v25;
	v42 =	vand.u32 $0x7F, v25;
	v44 =	vadd.s32 $0x1, v25  }
0xac: {  	v25 =	vshll.u32 v25, $0x3;
	v53 =	vtrunc.f32 v21;
	v41 =	vadd.s32 $0x1, v39  }
0xad: {  	v43 =	vshll.u32 v39, $0x7;
	v45 =	vshll.u32 v39, $0x8;
	v25 =	vand.u32 $0x400, v25  }
0xae: {  	v46 =	vand.u32 $0x7F, v44;
	v44 =	vshll.u32 v44, $0x3;
	v39 =	vcvt.s32.f32 v39  }
0xaf: {  	v34 =	vcvt.f32.s32 v53;
	v45 =	vand.u32 $0xF800, v45;
	v25 =	vor.u32 v42, v25  }
0xb0: {  	v63 =	vand.u32 $0xC00, v44;
	v43 =	vand.u32 $0x380, v43;
	v50 =	vshll.u32 v41, $0x8  }
0xb1: {  	v41 =	vshll.u32 v41, $0x7;
	v40 =	vsub.f32 v26, v62;
	v26 =	vmul.f32 $1.115000000e+02, v47  }
0xb2: {  	v54 =	vtrunc.f32 v24;
	v49 =	vor.u32 v45, v25;
	v45 =	vadd.s32 v63, v45  }
0xb3: {  	v41 =	vand.u32 $0x380, v41;
	v39 =	vsub.f32 v28, v39;
	v28 =	vmul.f32 $1.115000000e+02, v61  }
0xb4: {  	v58 =	vcvt.f32.s32 v54;
	vm10 =	vgt.s32 v34, $0x0;
	v44 =	vor.u32 v43, v49  }
0xb5: {  	v43 =	vor.u32 v43, v45;
	v45 =	vand.u32 $0x1F800, v50;
	v57 =	vsub.f32 $1.000000000e+00, v40  }
0xb6: {  	v34 =	vnsel vm10, $0x0, v34;
	v43 =	vor.u32 v46, v43;
	v48 =	vor.u32 v45, v25  }
0xb7: {  	v25 =	vmul.f32 $1.115000000e+02, v27;
	v42 =	vadd.s32 v63, v45;
	v27 =	vmul.f32 $1.115000000e+02, v36  }
0xb8: {  	v60 =	vtrunc.f32 v28;
	vm11 =	vgt.s32 v58, $0x0;
	v34 =	vmin.u32 v34, $0xDE  }
0xb9: {  	v48 =	vor.u32 v41, v48;
	v51 =	vor.u32 v41, v42;
	v41 =	vmul.f32 v39, v40  }
0xba: {  	v37 =	vcvt.f32.s32 v60;
	v38 =	vnsel vm11, $0x0, v58;
	v58 =	vcvt.s32.f32 v34  }
0xbb: {  	v35 =	vor.u32 v46, v51;
	v56 =	vtrunc.f32 v25;
	v49 =	vtrunc.f32 v27;
	v52 =	vld.idx.msk [tilespmem:v44+s5+$0x0], $0xffff  }
0xbc: {  	v51 =	vtrunc.f32 v26;
	v38 =	vmin.u32 v38, $0xDE;
	v39 =	vsub.f32 v39, v41;
	v55 =	vld.idx.msk [tilespmem:v43+s5+$0x0], $0xffff  }
0xbd: {  	v46 =	vcvt.f32.s32 v56;
	v40 =	vsub.f32 v40, v41;
	v49 =	vcvt.f32.s32 v49  }
0xbe: {  	v61 =	vcvt.f32.s32 v51;
	vm13 =	vgt.s32 v37, $0x0;
	v58 =	vsub.f32 v21, v58;
	v59 =	vld.idx.msk [tilespmem:v48+s5+$0x0], $0xffff  }
0xbf: {  	v37 =	vnsel vm13, $0x0, v37;
	v47 =	vsub.f32 v57, v39;
	vm12 =	vgt.s32 v46, $0x0  }
0xc0: {  	vm14 =	vgt.s32 v49, $0x0;
	vm15 =	vgt.s32 v61, $0x0;
	v57 =	vshll.u32 v38, $0x3;
	v50 =	vld.idx.msk [tilespmem:v35+s5+$0x0], $0xffff  }
0xc1: {  	[tilespmem:s17+$0x1EC00] =	vst v10;
	v10 =	vsub.f32 $1.000000000e+00, v58;
	v36 =	vmul.f32 v47, v52;
	v45 =	vmul.f32 v40, v55  }
0xc2: {  	v46 =	vnsel vm12, $0x0, v46;
	v63 =	vnsel vm14, $0x0, v49;
	v49 =	vadd.s32 $0x1, v34  }
0xc3: {  	v51 =	vshll.u32 v49, $0x3;
	v42 =	vmul.f32 v39, v59;
	v36 =	vadd.f32 v36, v45  }
0xc4: {  	v57 =	vand.u32 $0x400, v57;
	v46 =	vmin.u32 v46, $0xDE;
	v51 =	vand.u32 $0xC00, v51  }
0xc5: {  	s8 =	simm.s32 $0x40;
	v55 =	vshll.u32 v34, $0x3;
	v62 =	vmul.f32 v41, v50;
	v36 =	vadd.f32 v36, v42  }
0xc6: {  	s16 =	sshll.u32 s25, $0x7;
	s22 =	sand.u32 $0x400, s8;
	v34 =	vand.u32 $0x7F, v34;
	v55 =	vand.u32 $0x400, v55;
	v45 =	vnsel vm15, $0x0, v61  }
0xc7: {  	s16 =	sor.u32 s16, s22;
	v50 =	vadd.s32 $0x1, v46;
	v61 =	vshll.u32 v46, $0x3;
	v36 =	vadd.f32 v36, v62  }
0xc8: {  	s24 =	sor.u32 s26, s16;
	v55 =	vor.u32 v34, v55;
	v45 =	vmin.u32 v45, $0xDE;
	v54 =	vshll.u32 v50, $0x3  }
0xc9: {  	v61 =	vand.u32 $0x400, v61;
	v42 =	vmin.u32 v63, $0xDE;
	v59 =	vshll.u32 v45, $0x8;
	[tilespmem:s24+$0x1DC00] =	vst v36  }
0xca: {  	s9 =	sshll.u32 s9, $0x7;
	v54 =	vand.u32 $0xC00, v54;
	v56 =	vshll.u32 v42, $0x8;
	v59 =	vand.u32 $0xF800, v59;
	v44 =	vld.idx.msk [tilespmem:v44+s14+$0x0], $0xffff  }
0xcb: {  	s9 =	sor.u32 s19, s9;
	s10 =	sshll.u32 s10, $0x7;
	s1 =	sshll.u32 s1, $0x7;
	v62 =	vcvt.s32.f32 v38;
	v56 =	vand.u32 $0xF800, v56;
	v36 =	vmin.u32 v37, $0xDE;
	v43 =	vld.idx.msk [tilespmem:v43+s14+$0x0], $0xffff  }
0xcc: {  	s10 =	sor.u32 s19, s10;
	s25 =	sor.u32 s19, s1;
	s16 =	sor.u32 s7, s9;
	v37 =	vadd.s32 $0x1, v38;
	v38 =	vand.u32 $0x7F, v38;
	v52 =	vshll.u32 v36, $0x8;
	v48 =	vld.idx.msk [tilespmem:v48+s14+$0x0], $0xffff  }
0xcd: {  	s1 =	sor.u32 s7, s10;
	s7 =	sor.u32 s7, s25;
	[tilespmem:s16+$0x1DC00] =	vst v33;
	v53 =	vshll.u32 v37, $0x3;
	v60 =	vcvt.s32.f32 v36;
	v35 =	vld.idx.msk [tilespmem:v35+s14+$0x0], $0xffff;
	v33 =	vor.u32 v38, v57  }
0xce: {  	[tilespmem:s7+$0x1DC00] =	vst v31;
	v38 =	vadd.s32 v54, v59;
	v31 =	vadd.s32 $0x1, v36;
	v52 =	vand.u32 $0xF800, v52  }
0xcf: {  	v37 =	vand.u32 $0x7F, v37;
	v53 =	vand.u32 $0xC00, v53;
	v34 =	vadd.s32 v51, v52  }
0xd0: {  	v60 =	vsub.f32 v28, v60;
	v44 =	vmul.f32 v47, v44;
	v47 =	vcvt.s32.f32 v42  }
0xd1: {  	v28 =	vor.u32 v56, v33;
	v40 =	vmul.f32 v40, v43;
	v43 =	vcvt.s32.f32 v46  }
0xd2: {  	v39 =	vmul.f32 v39, v48;
	v48 =	vshll.u32 v36, $0x7;
	v35 =	vmul.f32 v35, v41  }
0xd3: {  	v41 =	vand.u32 $0x7F, v46;
	v46 =	vshll.u32 v45, $0x7;
	v36 =	vadd.s32 $0x1, v42  }
0xd4: {  	[tilespmem:s1+$0x1DC00] =	vst v32;
	v32 =	vand.u32 $0x380, v48;
	v40 =	vadd.f32 v44, v40;
	v44 =	vcvt.s32.f32 v45  }
0xd5: {  	v57 =	vld.idx.msk [tilespmem:v20+s14+$0x0], $0xffff;
	v45 =	vadd.s32 $0x1, v45;
	v20 =	vor.u32 v32, v34;
	v43 =	vsub.f32 v25, v43  }
0xd6: {  	v39 =	vadd.f32 v40, v39;
	v40 =	vshll.u32 v42, $0x7;
	v42 =	vsub.f32 v24, v62  }
0xd7: {  	v12 =	vld.idx.msk [tilespmem:v12+s14+$0x0], $0xffff;
	v62 =	vsub.f32 v27, v47;
	v44 =	vsub.f32 v26, v44;
	v26 =	vor.u32 v52, v55  }
0xd8: {  	v15 =	vld.idx.msk [tilespmem:v15+s14+$0x0], $0xffff;
	v47 =	vshll.u32 v36, $0x8;
	v52 =	vshll.u32 v45, $0x8;
	v36 =	vshll.u32 v36, $0x7  }
0xd9: {  	v14 =	vld.idx.msk [tilespmem:v14+s14+$0x0], $0xffff;
	v45 =	vshll.u32 v45, $0x7;
	v40 =	vand.u32 $0x380, v40;
	v34 =	vor.u32 v32, v26  }
0xda: {  	v21 =	vld.idx.msk [tilespmem:v17+s14+$0x0], $0xffff;
	v52 =	vand.u32 $0x1F800, v52;
	v36 =	vand.u32 $0x380, v36;
	v45 =	vand.u32 $0x380, v45  }
0xdb: {  	v17 =	vld.idx.msk [tilespmem:v30+s14+$0x0], $0xffff;
	v63 =	vadd.f32 v39, v35;
	v35 =	vadd.s32 v53, v56;
	v39 =	vor.u32 v41, v61  }
0xdc: {  	v41 =	vand.u32 $0x380, v46;
	v61 =	vld.idx.msk [tilespmem:v13+s14+$0x0], $0xffff;
	v46 =	vshll.u32 v31, $0x8;
	v56 =	vand.u32 $0x7F, v50  }
0xdd: {  	v13 =	vld.idx.msk [tilespmem:v19+s14+$0x0], $0xffff;
	v28 =	vor.u32 v40, v28;
	v24 =	vor.u32 v40, v35;
	v19 =	vor.u32 v41, v38  }
0xde: {  	v38 =	vand.u32 $0x7F, v49;
	v25 =	vor.u32 v37, v24;
	v24 =	vor.u32 v56, v19;
	v19 =	vld.idx.msk [tilespmem:v16+s14+$0x0], $0xffff  }
0xdf: {  	v32 =	vmul.f32 v62, v42;
	v35 =	vor.u32 v59, v39;
	v27 =	vor.u32 v38, v20;
	v20 =	vld.idx.msk [tilespmem:v18+s14+$0x0], $0xffff  }
0xe0: {  	v40 =	vand.u32 $0x1F800, v46;
	v59 =	vand.u32 $0x1F800, v47;
	v39 =	vor.u32 v52, v39;
	v18 =	vld.idx.msk [tilespmem:v23+s14+$0x0], $0xffff  }
0xe1: {  	v26 =	vor.u32 v41, v35;
	v23 =	vshll.u32 v31, $0x7;
	v16 =	vld.idx.msk [tilespmem:v29+s14+$0x0], $0xffff;
	v30 =	vor.u32 v59, v33  }
0xe2: {  	v29 =	vor.u32 v40, v55;
	v23 =	vand.u32 $0x380, v23;
	v30 =	vor.u32 v36, v30;
	v50 =	vld.idx.msk [tilespmem:v34+s5+$0x0], $0xffff  }
0xe3: {  	v33 =	vor.u32 v23, v29;
	v29 =	vor.u32 v45, v39;
	v39 =	vadd.s32 v51, v40;
	v51 =	vld.idx.msk [tilespmem:v28+s5+$0x0], $0xffff  }
0xe4: {  	v35 =	vmul.f32 v60, v58;
	v31 =	vmul.f32 v44, v43;
	[tilespmem:s24+$0x1EC00] =	vst v63;
	v63 =	vsub.f32 $1.000000000e+00, v43;
	v46 =	vld.idx.msk [tilespmem:v27+s5+$0x0], $0xffff  }
0xe5: {  	v55 =	vmul.f32 v11, v57;
	v40 =	vadd.s32 v53, v59;
	v59 =	vadd.s32 v54, v52;
	v47 =	vld.idx.msk [tilespmem:v25+s5+$0x0], $0xffff  }
0xe6: {  	v41 =	vsub.f32 v60, v35;
	v11 =	vsub.f32 v58, v35;
	v23 =	vor.u32 v23, v39;
	v48 =	vld.idx.msk [tilespmem:v24+s5+$0x0], $0xffff  }
0xe7: {  	s28 =	sshll.u32 s28, $0x7;
	v39 =	vsub.f32 v62, v32;
	v36 =	vor.u32 v36, v40;
	v40 =	vsub.f32 v44, v31;
	v49 =	vld.idx.msk [tilespmem:v26+s5+$0x0], $0xffff  }
0xe8: {  	s30 =	sshll.u32 s30, $0x7;
	s17 =	sshll.u32 s6, $0x7;
	s10 =	sor.u32 s22, s28;
	v62 =	vsub.f32 $1.000000000e+00, v42;
	v45 =	vor.u32 v45, v59;
	v38 =	vor.u32 v38, v23;
	v54 =	vld.idx.msk [tilespmem:v30+s5+$0x0], $0xffff  }
0xe9: {  	s11 =	sor.u32 s22, s30;
	s17 =	sor.u32 s22, s17;
	s9 =	smul.u32 $0xE00, s13;
	v22 =	vmul.f32 v22, v61;
	v37 =	vor.u32 v37, v36;
	v10 =	vsub.f32 v10, v41;
	v52 =	vld.idx.msk [tilespmem:v33+s5+$0x0], $0xffff  }
0xea: {  	s19 =	sor.u32 s26, s10;
	s11 =	sor.u32 s26, s11;
	s10 =	sor.u32 s26, s17;
	v36 =	vor.u32 v56, v45;
	v45 =	vsub.f32 v62, v39;
	v44 =	vsub.f32 v63, v40;
	v53 =	vld.idx.msk [tilespmem:v29+s5+$0x0], $0xffff  }
.LBB2_4:
0xeb: {  	s29 =	sadd.s32 $0x4, s29;
	v23 =	vmul.f32 v10, v50;
	v42 =	vsub.f32 v42, v32;
	v43 =	vsub.f32 v43, v31  }
0xec: {  	v50 =	vmul.f32 v45, v51;
	s17 =	sand.u32 $0x4, s29;
	v46 =	vmul.f32 v11, v46;
	v22 =	vadd.f32 v55, v22  }
0xed: {  	s15 =	sadd.s32 $0x8, s15;
	s18 =	smul.u32 $0xE0, s17;
	s21 =	sor.u32 $0x1, s17;
	v51 =	vld.idx.msk [tilespmem:v38+s5+$0x0], $0xffff;
	v47 =	vmul.f32 v42, v47;
	v48 =	vmul.f32 v43, v48  }
0xee: {  	s22 =	sand.u32 $0xF0, s15;
	v49 =	vmul.f32 v44, v49;
	s30 =	sor.u32 $0x2, s17;
	s24 =	sor.u32 $0x3, s17;
	v23 =	vadd.f32 v23, v46;
	v46 =	vmul.f32 v41, v52;
	v52 =	vld.idx.msk [tilespmem:v37+s5+$0x0], $0xffff  }
0xef: {  	v13 =	vmul.f32 v8, v13;
	s25 =	smul.u32 $0xE0, s21;
	s28 =	sshll.u32 s21, $0x7;
	s18 =	sadd.s32 s22, s18;
	v47 =	vadd.f32 v50, v47;
	v50 =	vmul.f32 v39, v54;
	v54 =	vld.idx.msk [tilespmem:v36+s5+$0x0], $0xffff  }
0xf0: {  	v8 =	vmovc v45;
	s26 =	sand.u32 $0x70, s15;
	s21 =	smul.u32 $0xE0, s30;
	s18 =	sand.u32 $0x780, s18;
	v23 =	vadd.f32 v23, v46;
	v46 =	vadd.f32 v49, v48;
	v48 =	vmul.f32 v40, v53  }
0xf1: {  	v12 =	vmul.f32 v7, v12;
	v9 =	vmul.f32 v9, v15;
	v7 =	vmovc v42;
	s2 =	smul.u32 $0xE0, s24;
	s25 =	sadd.s32 s22, s25;
	s3 =	sor.u32 s26, s18;
	v45 =	vadd.f32 v47, v50  }
0xf2: {  	v21 =	vmul.f32 v4, v21;
	v14 =	vmul.f32 v6, v14;
	v6 =	vmovc v43;
	s21 =	sadd.s32 s22, s21;
	s18 =	sshll.u32 s30, $0x7;
	s30 =	sshll.u32 s24, $0x7;
	v15 =	vld [tilespmem:s3+$0x1C000];
	v42 =	vadd.f32 v46, v48  }
0xf3: {  	v4 =	vmovc v41;
	p1 =	slt.u32 s29, $0x6C;
	v12 =	vadd.f32 v13, v12;
	v13 =	vmul.f32 v3, v19;
	s2 =	sadd.s32 s22, s2;
	v46 =	vmul.f32 v35, v51;
	v43 =	vld [tilespmem:s3+$0x1CE00]  }
0xf4: {  	v9 =	vadd.f32 v9, v14;
	v14 =	vmul.f32 v5, v20;
	v3 =	vmovc v39;
	v41 =	vmul.f32 v32, v52;
	v19 =	vld [tilespmem:s25+$0x1C000]  }
0xf5: {  	v5 =	vmovc v40;
	v21 =	vadd.f32 v22, v21;
	v23 =	vadd.f32 v23, v46;
	v39 =	vmul.f32 v31, v54;
	v20 =	vld [tilespmem:s21+$0x1C000]  }
0xf6: {  	v18 =	vmul.f32 v18, v0;
	v0 =	vmovc v35;
	v12 =	vadd.f32 v12, v13;
	v22 =	vadd.f32 v45, v41;
	v40 =	vld [tilespmem:s2+$0x1C000]  }
0xf7: {  	v16 =	vmul.f32 v16, v1;
	v1 =	vmovc v32;
	v13 =	vadd.f32 $1.000000000e+00, v15;
	v15 =	vld [tilespmem:s25+$0x1CE00];
	[tilespmem:s19+$0x1DC00] =	vst v23;
	v23 =	vadd.f32 v42, v39  }
0xf8: {  	v41 =	vmul.f32 v17, v2;
	v2 =	vmovc v31;
	v39 =	vadd.f32 v9, v14;
	v32 =	vadd.f32 $1.000000000e+00, v43;
	v35 =	vld [tilespmem:s21+$0x1CE00];
	[tilespmem:s11+$0x1DC00] =	vst v22  }
0xf9: {  	v17 =	vadd.f32 v21, v18;
	v9 =	vmovc v44;
	v42 =	vmul.f32 $1.115000000e+02, v13;
	v13 =	vadd.f32 $1.000000000e+00, v19;
	v14 =	vld [tilespmem:s2+$0x1CE00];
	[tilespmem:s10+$0x1DC00] =	vst v23  }
0xfa: {  	v12 =	vadd.f32 v12, v16;
	v32 =	vmul.f32 $1.115000000e+02, v32;
	v18 =	vadd.f32 $1.000000000e+00, v20;
	v22 =	vld.idx.msk [tilespmem:v34+s14+$0x0], $0xffff  }
0xfb: {  	v16 =	vtrunc.f32 v42;
	v31 =	vmul.f32 $1.115000000e+02, v13;
	v19 =	vadd.f32 $1.000000000e+00, v40;
	v23 =	vld.idx.msk [tilespmem:v27+s14+$0x0], $0xffff;
	[tilespmem:s16+$0x1EC00] =	vst v17;
	s16 =	smov.u32 s19  }
0xfc: {  	v16 =	vcvt.f32.s32 v16;
	v17 =	vtrunc.f32 v32;
	v20 =	vadd.f32 $1.000000000e+00, v15;
	v13 =	vld.idx.msk [tilespmem:v28+s14+$0x0], $0xffff;
	[tilespmem:s1+$0x1EC00] =	vst v12;
	s1 =	smov.u32 s11  }
0xfd: {  	v27 =	vmul.f32 $1.115000000e+02, v18;
	v17 =	vcvt.f32.s32 v17;
	v18 =	vadd.f32 $1.000000000e+00, v35;
	v12 =	vld.idx.msk [tilespmem:v25+s14+$0x0], $0xffff  }
0xfe: {  	v25 =	vmul.f32 $1.115000000e+02, v19;
	vm0 =	vgt.s32 v16, $0x0;
	v19 =	vadd.f32 $1.000000000e+00, v14;
	v15 =	vld.idx.msk [tilespmem:v26+s14+$0x0], $0xffff  }
0xff: {  	v26 =	vmul.f32 $1.115000000e+02, v20;
	v16 =	vnsel vm0, $0x0, v16;
	vm0 =	vgt.s32 v17, $0x0;
	v14 =	vld.idx.msk [tilespmem:v24+s14+$0x0], $0xffff  }
0x100: {  	v24 =	vmul.f32 $1.115000000e+02, v18;
	v16 =	vmin.u32 v16, $0xDE;
	v17 =	vnsel vm0, $0x0, v17;
	v21 =	vld.idx.msk [tilespmem:v33+s14+$0x0], $0xffff  }
0x101: {  	v28 =	vmul.f32 $1.115000000e+02, v19;
	v33 =	vmin.u32 v17, $0xDE;
	v34 =	vcvt.s32.f32 v16;
	v19 =	vld.idx.msk [tilespmem:v30+s14+$0x0], $0xffff  }
0x102: {  	v17 =	vand.u32 $0x7F, v16;
	v30 =	vadd.s32 $0x1, v33;
	v35 =	vshll.u32 v33, $0x7;
	v20 =	vld.idx.msk [tilespmem:v29+s14+$0x0], $0xffff  }
0x103: {  	v29 =	vadd.s32 $0x1, v16;
	v40 =	vshll.u32 v33, $0x8;
	v16 =	vshll.u32 v16, $0x3;
	v18 =	vld.idx.msk [tilespmem:v38+s14+$0x0], $0xffff  }
0x104: {  	v38 =	vand.u32 $0x400, v16;
	v43 =	vand.u32 $0x7F, v29;
	v29 =	vshll.u32 v29, $0x3;
	v16 =	vld.idx.msk [tilespmem:v37+s14+$0x0], $0xffff  }
0x105: {  	v37 =	vand.u32 $0xF800, v40;
	v38 =	vor.u32 v17, v38;
	v29 =	vand.u32 $0xC00, v29;
	v17 =	vld.idx.msk [tilespmem:v36+s14+$0x0], $0xffff  }
0x106: {  	v35 =	vand.u32 $0x380, v35;
	v36 =	vor.u32 v37, v38;
	v37 =	vadd.s32 v29, v37  }
0x107: {  	v36 =	vor.u32 v35, v36;
	v35 =	vor.u32 v35, v37;
	v37 =	vshll.u32 v30, $0x8  }
0x108: {  	v30 =	vshll.u32 v30, $0x7;
	v35 =	vor.u32 v43, v35;
	v37 =	vand.u32 $0x1F800, v37  }
0x109: {  	v33 =	vcvt.s32.f32 v33;
	v30 =	vand.u32 $0x380, v30;
	v38 =	vor.u32 v37, v38  }
0x10a: {  	v29 =	vadd.s32 v29, v37;
	v37 =	vtrunc.f32 v31;
	v38 =	vor.u32 v30, v38  }
0x10b: {  	v34 =	vsub.f32 v42, v34;
	v32 =	vsub.f32 v32, v33;
	v29 =	vor.u32 v30, v29  }
0x10c: {  	v33 =	vtrunc.f32 v27;
	v40 =	vtrunc.f32 v25;
	v29 =	vor.u32 v43, v29;
	v30 =	vld.idx.msk [tilespmem:v36+s5+$0x0], $0xffff  }
0x10d: {  	v39 =	vadd.f32 v39, v41;
	v42 =	vmul.f32 v32, v34;
	v37 =	vcvt.f32.s32 v37;
	v43 =	vld.idx.msk [tilespmem:v35+s5+$0x0], $0xffff  }
0x10e: {  	v33 =	vcvt.f32.s32 v33;
	v40 =	vcvt.f32.s32 v40  }
0x10f: {  	v45 =	vtrunc.f32 v26;
	v41 =	vsub.f32 $1.000000000e+00, v34;
	v32 =	vsub.f32 v32, v42;
	v44 =	vld.idx.msk [tilespmem:v38+s5+$0x0], $0xffff;
	[tilespmem:s7+$0x1EC00] =	vst v39;
	s7 =	smov.u32 s10  }
0x110: {  	v46 =	vtrunc.f32 v28;
	vm0 =	vgt.s32 v37, $0x0;
	v39 =	vtrunc.f32 v24  }
0x111: {  	v45 =	vcvt.f32.s32 v45;
	v34 =	vsub.f32 v34, v42;
	v41 =	vsub.f32 v41, v32;
	v47 =	vld.idx.msk [tilespmem:v29+s5+$0x0], $0xffff  }
0x112: {  	v46 =	vcvt.f32.s32 v46;
	vm1 =	vgt.s32 v33, $0x0;
	v39 =	vcvt.f32.s32 v39  }
0x113: {  	vm2 =	vgt.s32 v40, $0x0;
	v30 =	vmul.f32 v41, v30;
	v43 =	vmul.f32 v34, v43  }
0x114: {  	v33 =	vnsel vm1, $0x0, v33;
	v40 =	vnsel vm2, $0x0, v40;
	v37 =	vnsel vm0, $0x0, v37  }
0x115: {  	vm0 =	vgt.s32 v45, $0x0;
	v30 =	vadd.f32 v30, v43;
	v43 =	vmul.f32 v32, v44  }
0x116: {  	vm2 =	vgt.s32 v46, $0x0;
	v37 =	vmin.u32 v37, $0xDE;
	vm1 =	vgt.s32 v39, $0x0  }
0x117: {  	s8 =	sadd.s32 $0x40, s8;
	v33 =	vmin.u32 v33, $0xDE;
	v30 =	vadd.f32 v30, v43;
	v43 =	vmul.f32 v42, v47  }
0x118: {  	s3 =	sshll.u32 s17, $0x7;
	s2 =	sand.u32 $0x400, s8;
	v40 =	vmin.u32 v40, $0xDE;
	v39 =	vnsel vm1, $0x0, v39;
	v44 =	vnsel vm0, $0x0, v45  }
0x119: {  	s3 =	sor.u32 s3, s2;
	s11 =	sor.u32 s2, s18;
	s10 =	sor.u32 s2, s28;
	v45 =	vadd.s32 $0x1, v37;
	v30 =	vadd.f32 v30, v43;
	v43 =	vnsel vm2, $0x0, v46  }
0x11a: {  	s17 =	sor.u32 s26, s3;
	s2 =	sor.u32 s2, s30;
	s19 =	sor.u32 s26, s10;
	v44 =	vmin.u32 v44, $0xDE;
	v47 =	vadd.s32 $0x1, v40;
	v46 =	vadd.s32 $0x1, v33  }
0x11b: {  	s11 =	sor.u32 s26, s11;
	s10 =	sor.u32 s26, s2;
	v39 =	vmin.u32 v39, $0xDE;
	v43 =	vmin.u32 v43, $0xDE;
	[tilespmem:s17+$0x1DC00] =	vst v30;
	v30 =	vshll.u32 v45, $0x3  }
0x11c: {  	v48 =	vshll.u32 v44, $0x8;
	v50 =	vshll.u32 v47, $0x3;
	v49 =	vshll.u32 v46, $0x3;
	v36 =	vld.idx.msk [tilespmem:v36+s14+$0x0], $0xffff  }
0x11d: {  	v53 =	vshll.u32 v33, $0x3;
	v51 =	vshll.u32 v37, $0x3;
	v52 =	vshll.u32 v39, $0x8;
	v35 =	vld.idx.msk [tilespmem:v35+s14+$0x0], $0xffff  }
0x11e: {  	v56 =	vshll.u32 v40, $0x3;
	v54 =	vcvt.s32.f32 v37;
	v55 =	vshll.u32 v43, $0x8  }
0x11f: {  	v57 =	vcvt.s32.f32 v44;
	v58 =	vand.u32 $0xC00, v30;
	v30 =	vcvt.s32.f32 v33;
	v38 =	vld.idx.msk [tilespmem:v38+s14+$0x0], $0xffff  }
0x120: {  	v60 =	vcvt.s32.f32 v40;
	v59 =	vcvt.s32.f32 v39;
	v49 =	vand.u32 $0xC00, v49  }
0x121: {  	v48 =	vand.u32 $0xF800, v48;
	v62 =	vand.u32 $0xC00, v50;
	v61 =	vcvt.s32.f32 v43;
	v29 =	vld.idx.msk [tilespmem:v29+s14+$0x0], $0xffff  }
0x122: {  	v50 =	vand.u32 $0x400, v51;
	v51 =	vand.u32 $0xF800, v52;
	v52 =	vand.u32 $0x400, v53  }
0x123: {  	v36 =	vmul.f32 v41, v36;
	v34 =	vmul.f32 v34, v35;
	v35 =	vand.u32 $0xF800, v55  }
0x124: {  	v37 =	vand.u32 $0x7F, v37;
	v53 =	vand.u32 $0x400, v56;
	v41 =	vshll.u32 v44, $0x7  }
0x125: {  	v33 =	vand.u32 $0x7F, v33;
	v34 =	vadd.f32 v36, v34;
	v32 =	vmul.f32 v32, v38  }
0x126: {  	v36 =	vshll.u32 v39, $0x7;
	v38 =	vand.u32 $0x7F, v40;
	v40 =	vshll.u32 v43, $0x7  }
0x127: {  	v32 =	vadd.f32 v34, v32;
	v29 =	vmul.f32 v29, v42;
	v34 =	vadd.s32 v58, v48  }
0x128: {  	v37 =	vor.u32 v37, v50;
	v50 =	vadd.s32 v49, v51;
	v55 =	vadd.s32 v62, v35  }
0x129: {  	v33 =	vor.u32 v33, v52;
	v38 =	vor.u32 v38, v53;
	v29 =	vadd.f32 v32, v29  }
0x12a: {  	v36 =	vand.u32 $0x380, v36;
	v40 =	vand.u32 $0x380, v40;
	v32 =	vand.u32 $0x380, v41  }
0x12b: {  	v39 =	vadd.s32 $0x1, v39;
	v41 =	vadd.s32 $0x1, v43;
	[tilespmem:s17+$0x1EC00] =	vst v29;
	v29 =	vadd.s32 $0x1, v44  }
0x12c: {  	v56 =	vsub.f32 v31, v54;
	v44 =	vsub.f32 v26, v57;
	v26 =	vor.u32 v32, v34  }
0x12d: {  	v52 =	vsub.f32 v24, v59;
	v42 =	vsub.f32 v27, v30;
	v24 =	vor.u32 v36, v50  }
0x12e: {  	v53 =	vsub.f32 v28, v61;
	v28 =	vor.u32 v40, v55;
	v43 =	vsub.f32 v25, v60  }
0x12f: {  	v31 =	vor.u32 v51, v33;
	v30 =	vor.u32 v48, v37;
	v35 =	vor.u32 v35, v38  }
0x130: {  	v54 =	vand.u32 $0x7F, v46;
	v45 =	vand.u32 $0x7F, v45;
	v48 =	vshll.u32 v29, $0x8  }
0x131: {  	v46 =	vshll.u32 v39, $0x8;
	v55 =	vand.u32 $0x7F, v47;
	v47 =	vshll.u32 v41, $0x8  }
0x132: {  	v25 =	vor.u32 v54, v24;
	v24 =	vor.u32 v55, v28;
	v27 =	vor.u32 v45, v26  }
0x133: {  	v28 =	vor.u32 v36, v31;
	v34 =	vor.u32 v32, v30;
	v26 =	vor.u32 v40, v35  }
0x134: {  	v51 =	vand.u32 $0x1F800, v47;
	v40 =	vand.u32 $0x1F800, v46;
	v36 =	vand.u32 $0x1F800, v48  }
0x135: {  	v30 =	vshll.u32 v39, $0x7;
	v39 =	vshll.u32 v41, $0x7;
	v29 =	vshll.u32 v29, $0x7  }
0x136: {  	v32 =	vmul.f32 v52, v42;
	v35 =	vmul.f32 v44, v56;
	v37 =	vor.u32 v36, v37  }
0x137: {  	v31 =	vmul.f32 v53, v43;
	v38 =	vor.u32 v51, v38;
	v41 =	vor.u32 v40, v33;
	v46 =	vld.idx.msk [tilespmem:v27+s5+$0x0], $0xffff  }
0x138: {  	v59 =	vand.u32 $0x380, v30;
	v60 =	vand.u32 $0x380, v39;
	v57 =	vand.u32 $0x380, v29;
	v47 =	vld.idx.msk [tilespmem:v25+s5+$0x0], $0xffff  }
0x139: {  	v29 =	vor.u32 v60, v38;
	v30 =	vor.u32 v59, v41;
	v33 =	vor.u32 v57, v37;
	v48 =	vld.idx.msk [tilespmem:v24+s5+$0x0], $0xffff  }
0x13a: {  	v38 =	vadd.s32 v62, v51;
	v36 =	vadd.s32 v58, v36;
	v37 =	vadd.s32 v49, v40;
	v50 =	vld.idx.msk [tilespmem:v34+s5+$0x0], $0xffff  }
0x13b: {  	v39 =	vsub.f32 v52, v32;
	v41 =	vsub.f32 v44, v35;
	v36 =	vor.u32 v57, v36;
	v51 =	vld.idx.msk [tilespmem:v28+s5+$0x0], $0xffff  }
.Ltmp4:
0x13c: {  	v44 =	vsub.f32 $1.000000000e+00, v56;
	v40 =	vsub.f32 v53, v31;
	v37 =	vor.u32 v59, v37;
	v49 =	vld.idx.msk [tilespmem:v26+s5+$0x0], $0xffff;
	(pc) =	sbr.rel @p1 .LBB2_4-.Ltmp4, $4  }
0x13d: {  	v58 =	vor.u32 v60, v38;
	v53 =	vsub.f32 $1.000000000e+00, v42;
	v57 =	vsub.f32 $1.000000000e+00, v43  }
0x13e: {  	v38 =	vor.u32 v45, v36;
	v36 =	vor.u32 v55, v58;
	v37 =	vor.u32 v54, v37;
	v52 =	vld.idx.msk [tilespmem:v33+s5+$0x0], $0xffff  }
0x13f: {  	v55 =	vmul.f32 v10, v22;
	v45 =	vsub.f32 v53, v39;
	v10 =	vsub.f32 v44, v41;
	v54 =	vld.idx.msk [tilespmem:v30+s5+$0x0], $0xffff  }
0x140: {  	v22 =	vmul.f32 v11, v23;
	v11 =	vsub.f32 v56, v35;
	v44 =	vsub.f32 v57, v40;
	v53 =	vld.idx.msk [tilespmem:v29+s5+$0x0], $0xffff  }
0x141: {  	_ =	sdelay $0x3  }
0x142: {  	v60 =	vld.idx.msk [tilespmem:v38+s5+$0x0], $0xffff  }
0x143: {  	v50 =	vmul.f32 v10, v50;
	v46 =	vmul.f32 v11, v46;
	_ =	sdelay $0x1  }
0x144: {  	v23 =	vsub.f32 v42, v32;
	v61 =	vmul.f32 v41, v52;
	v46 =	vadd.f32 v50, v46  }
0x145: {  	v43 =	vsub.f32 v43, v31;
	v51 =	vmul.f32 v45, v51;
	v56 =	vld.idx.msk [tilespmem:v37+s5+$0x0], $0xffff  }
0x146: {  	v47 =	vmul.f32 v23, v47;
	v46 =	vadd.f32 v46, v61;
	v42 =	vmul.f32 v35, v60  }
0x147: {  	v62 =	vld.idx.msk [tilespmem:v36+s5+$0x0], $0xffff;
	v49 =	vmul.f32 v44, v49;
	v48 =	vmul.f32 v43, v48  }
0x148: {  	v63 =	vmul.f32 v39, v54;
	v47 =	vadd.f32 v51, v47;
	v42 =	vadd.f32 v46, v42  }
0x149: {  	v8 =	vmul.f32 v8, v13;
	v7 =	vmul.f32 v7, v12;
	v48 =	vadd.f32 v49, v48  }
0x14a: {  	v54 =	vmul.f32 v40, v53;
	v57 =	vmul.f32 v32, v56;
	v47 =	vadd.f32 v47, v63;
	[tilespmem:s19+$0x1DC00] =	vst v42  }
0x14b: {  	v3 =	vmul.f32 v3, v19;
	v7 =	vadd.f32 v8, v7;
	v34 =	vld.idx.msk [tilespmem:v34+s14+$0x0], $0xffff  }
0x14c: {  	v59 =	vmul.f32 v31, v62;
	v58 =	vadd.f32 v48, v54;
	v47 =	vadd.f32 v47, v57;
	v27 =	vld.idx.msk [tilespmem:v27+s14+$0x0], $0xffff  }
0x14d: {  	v8 =	vld.idx.msk [tilespmem:v33+s14+$0x0], $0xffff  }
0x14e: {  	v3 =	vadd.f32 v7, v3;
	v60 =	vadd.f32 v58, v59;
	[tilespmem:s11+$0x1DC00] =	vst v47;
	v7 =	vld.idx.msk [tilespmem:v38+s14+$0x0], $0xffff  }
0x14f: {  	v28 =	vld.idx.msk [tilespmem:v28+s14+$0x0], $0xffff  }
0x150: {  	v9 =	vmul.f32 v9, v15;
	v6 =	vmul.f32 v6, v14;
	[tilespmem:s10+$0x1DC00] =	vst v60;
	v25 =	vld.idx.msk [tilespmem:v25+s14+$0x0], $0xffff  }
0x151: {  	v4 =	vmul.f32 v4, v21;
	v13 =	vadd.f32 v55, v22;
	v12 =	vld.idx.msk [tilespmem:v26+s14+$0x0], $0xffff  }
0x152: {  	v5 =	vmul.f32 v5, v20;
	v6 =	vadd.f32 v9, v6;
	v14 =	vld.idx.msk [tilespmem:v24+s14+$0x0], $0xffff  }
0x153: {  	v0 =	vmul.f32 v18, v0;
	v1 =	vmul.f32 v16, v1;
	v4 =	vadd.f32 v13, v4;
	v9 =	vld.idx.msk [tilespmem:v30+s14+$0x0], $0xffff  }
0x154: {  	v2 =	vmul.f32 v17, v2;
	v5 =	vadd.f32 v6, v5;
	v13 =	vld.idx.msk [tilespmem:v29+s14+$0x0], $0xffff;
	v10 =	vmul.f32 v10, v34  }
0x155: {  	v0 =	vadd.f32 v4, v0;
	v6 =	vld.idx.msk [tilespmem:v37+s14+$0x0], $0xffff;
	v11 =	vmul.f32 v11, v27;
	v8 =	vmul.f32 v41, v8  }
0x156: {  	v1 =	vadd.f32 v3, v1;
	v4 =	vld.idx.msk [tilespmem:v36+s14+$0x0], $0xffff;
	v15 =	vmul.f32 v45, v28;
	v16 =	vmul.f32 v23, v25  }
0x157: {  	v12 =	vmul.f32 v44, v12;
	v14 =	vmul.f32 v43, v14;
	v3 =	vadd.f32 v10, v11  }
0x158: {  	v7 =	vmul.f32 v7, v35;
	v9 =	vmul.f32 v39, v9;
	v10 =	vadd.f32 v15, v16  }
0x159: {  	v11 =	vadd.f32 v12, v14;
	v12 =	vmul.f32 v40, v13;
	v3 =	vadd.f32 v3, v8  }
0x15a: {  	[tilespmem:s16+$0x1EC00] =	vst v0;
	v0 =	vadd.f32 v5, v2;
	v5 =	vmul.f32 v6, v32;
	v2 =	vadd.f32 v10, v9  }
0x15b: {  	[tilespmem:s1+$0x1EC00] =	vst v1;
	v4 =	vmul.f32 v4, v31;
	v1 =	vadd.f32 v11, v12;
	v3 =	vadd.f32 v3, v7  }
0x15c: {  	s21 =	sshll.u32 s13, $0xC;
	[tilespmem:s7+$0x1EC00] =	vst v0;
	v0 =	vadd.f32 v2, v5  }
0x15d: {  	s2 =	sadd.s32 s31, s21;
	v1 =	vadd.f32 v1, v4;
	[tilespmem:s19+$0x1EC00] =	vst v3  }
0x15e: {  	s2 =	sshrl.u32 s2, $0x3;
	s1 =	sadd.s32 s0, s21;
	[tilespmem:s11+$0x1EC00] =	vst v0  }
0x15f: {  	s3 =	simm.s32 $0x1DC00;
	s2 =	sadd.s32 s4, s2;
	s1 =	sshrl.u32 s1, $0x3;
	[tilespmem:s10+$0x1EC00] =	vst v1  }
0x160: {  	[hbm4b:s2+s5] =	stream.linear.scatter [tilespmem:s3], [sflag:$0x4], $0x800, $0x38;
	[tilespmem:$0x1FC00] =	vst v63  }
0x161: {  	s22 =	simm.s32 $0x1EC00;
	s1 =	sadd.s32 s4, s1  }
0x162: {  	[hbm4b:s1+s5] =	stream.linear.scatter [tilespmem:s22], [sflag:$0x4], $0x800, $0x38;
	[tilespmem:$0x1FC00] =	vst v63  }
0x163: {  	p1 =	seq.s32 s13, $0xD;
	s1 =	rddreg [dreg:$0x9]  }
0x164: {  	s1 =	sadd.s32 @!p1 s9, s1  }
0x165: {  	s1 =	sshrl.u32 @!p1 s1, $0x3  }
0x166: {  	s7 =	simm.s32 @!p1 $0x1C000;
	s3 =	simm.s32 @!p1 $0x0;
	s2 =	sadd.s32 @!p1 s12, s1  }
0x167: {  	[tilespmem:s7], [sflag:$0x2] =	stream.linear.gather @!p1 [hbm4b:s2+s3], $0x700, $0x38;
	[tilespmem:$0x1FC00] =	vst v63  }
0x168: {  	s2 =	rddreg [dreg:$0x1]  }
0x169: {  	s1 =	sadd.s32 @!p1 s2, s1;
	s2 =	simm.s32 @!p1 $0x1CE00  }
0x16a: {  	[tilespmem:s2], [sflag:$0x2] =	stream.linear.gather @!p1 [hbm4b:s1+s3], $0x700, $0x38;
	[tilespmem:$0x1FC00] =	vst v63  }
0x16b: {  	_ =	swait.ge [sflag:s23], $0x700  }
0x16c: {  	[sflag:s23] =	ssyncset.done $0x0  }
0x16d: {  	[sflag:s23] =	ssyncadd.s32 $0xFFFFF900  }
0x16e: {  	_ =	swait.ge [sflag:s23], $0x700  }
0x16f: {  	[sflag:s23] =	ssyncset.done $0x0  }
0x170: {  	s24 =	simm.s32 $0x0;
	s1 =	simm.s32 @!p0 $0x5;
	[sflag:s23] =	ssyncadd.s32 $0xFFFFF900  }
0x171: {  	s8 =	sand.u32 $0x4, s24;
	_ =	swait.ge @!p0 [sflag:s1], $0x800  }
0x172: {  	s25 =	simm.s32 $0x0;
	s2 =	smul.u32 $0xE0, s8;
	[sflag:s1] =	ssyncset.done @!p0 $0x0  }
0x173: {  	s26 =	sand.u32 $0xF0, s25;
	s10 =	sor.u32 $0x2, s8;
	[sflag:s1] =	ssyncadd.s32 @!p0 $0xFFFFF800  }
0x174: {  	s9 =	sor.u32 $0x1, s8;
	s2 =	sadd.s32 s26, s2;
	_ =	swait.ge @!p0 [sflag:s1], $0x800  }
0x175: {  	s7 =	sand.u32 $0x70, s25;
	s2 =	sand.u32 $0x780, s2;
	[sflag:s1] =	ssyncset.done @!p0 $0x0  }
0x176: {  	s15 =	smul.u32 $0xE0, s9;
	s2 =	sor.u32 s7, s2;
	[sflag:s1] =	ssyncadd.s32 @!p0 $0xFFFFF800  }
0x177: {  	s28 =	smul.u32 $0xE0, s10;
	v0 =	vld [tilespmem:s2+$0x1C700]  }
0x178: {  	s15 =	sadd.s32 s26, s15;
	s1 =	sor.u32 $0x3, s8;
	v1 =	vld [tilespmem:s2+$0x1D500]  }
0x179: {  	s16 =	sadd.s32 s26, s28;
	s30 =	smul.u32 $0xE0, s1;
	v2 =	vld [tilespmem:s15+$0x1C700]  }
0x17a: {  	v3 =	vld [tilespmem:s16+$0x1C700]  }
0x17b: {  	v5 =	vld [tilespmem:s15+$0x1D500];
	s2 =	sadd.s32 s26, s30  }
0x17c: {  	v8 =	vld [tilespmem:s2+$0x1D500]  }
0x17d: {  	v4 =	vld [tilespmem:s2+$0x1C700];
	v0 =	vadd.f32 $1.000000000e+00, v0  }
0x17e: {  	v1 =	vadd.f32 $1.000000000e+00, v1  }
0x17f: {  	v6 =	vld [tilespmem:s16+$0x1D500];
	v7 =	vmul.f32 $1.115000000e+02, v0;
	v0 =	vadd.f32 $1.000000000e+00, v2  }
0x180: {  	v5 =	vadd.f32 $1.000000000e+00, v5;
	v9 =	vmul.f32 $1.115000000e+02, v1;
	v1 =	vadd.f32 $1.000000000e+00, v3  }
0x181: {  	v8 =	vadd.f32 $1.000000000e+00, v8;
	v2 =	vtrunc.f32 v7;
	v0 =	vmul.f32 $1.115000000e+02, v0  }
0x182: {  	v3 =	vadd.f32 $1.000000000e+00, v4;
	v4 =	vcvt.f32.s32 v2;
	v2 =	vtrunc.f32 v9  }
0x183: {  	v8 =	vmul.f32 $1.115000000e+02, v8;
	v10 =	vcvt.f32.s32 v2  }
0x184: {  	v6 =	vadd.f32 $1.000000000e+00, v6;
	v2 =	vmul.f32 $1.115000000e+02, v3;
	v3 =	vmul.f32 $1.115000000e+02, v5  }
0x185: {  	v1 =	vmul.f32 $1.115000000e+02, v1;
	vm0 =	vgt.s32 v4, $0x0;
	v22 =	vtrunc.f32 v8  }
0x186: {  	v4 =	vnsel vm0, $0x0, v4;
	vm15 =	vgt.s32 v10, $0x0;
	v19 =	vtrunc.f32 v3  }
0x187: {  	v22 =	vcvt.f32.s32 v22;
	v5 =	vmin.u32 v4, $0xDE;
	v10 =	vnsel vm15, $0x0, v10  }
0x188: {  	v4 =	vmul.f32 $1.115000000e+02, v6;
	v19 =	vcvt.f32.s32 v19;
	v6 =	vmin.u32 v10, $0xDE  }
0x189: {  	v10 =	vcvt.s32.f32 v5;
	v12 =	vand.u32 $0x7F, v5;
	v14 =	vadd.s32 $0x1, v5  }
0x18a: {  	v5 =	vshll.u32 v5, $0x3;
	vm7 =	vgt.s32 v22, $0x0;
	v11 =	vadd.s32 $0x1, v6  }
0x18b: {  	v13 =	vshll.u32 v6, $0x7;
	v15 =	vshll.u32 v6, $0x8;
	v5 =	vand.u32 $0x400, v5  }
0x18c: {  	v16 =	vand.u32 $0x7F, v14;
	v14 =	vshll.u32 v14, $0x3;
	v6 =	vcvt.s32.f32 v6  }
0x18d: {  	v21 =	vtrunc.f32 v4;
	vm5 =	vgt.s32 v19, $0x0;
	v15 =	vand.u32 $0xF800, v15  }
0x18e: {  	v5 =	vor.u32 v12, v5;
	v12 =	vand.u32 $0xC00, v14;
	v13 =	vand.u32 $0x380, v13  }
0x18f: {  	v7 =	vsub.f32 v7, v10;
	v10 =	vtrunc.f32 v1;
	v21 =	vcvt.f32.s32 v21  }
0x190: {  	v19 =	vnsel vm5, $0x0, v19;
	v14 =	vor.u32 v15, v5;
	v15 =	vadd.s32 v12, v15  }
0x191: {  	v14 =	vor.u32 v13, v14;
	v13 =	vor.u32 v13, v15;
	v15 =	vshll.u32 v11, $0x8  }
0x192: {  	v11 =	vshll.u32 v11, $0x7;
	v13 =	vor.u32 v16, v13;
	v15 =	vand.u32 $0x1F800, v15  }
0x193: {  	v6 =	vsub.f32 v9, v6;
	v11 =	vand.u32 $0x380, v11;
	v5 =	vor.u32 v15, v5  }
0x194: {  	v10 =	vcvt.f32.s32 v10;
	v12 =	vadd.s32 v12, v15;
	v5 =	vor.u32 v11, v5  }
0x195: {  	v19 =	vmin.u32 v19, $0xDE;
	v18 =	vsub.f32 $1.000000000e+00, v7;
	v9 =	vor.u32 v11, v12  }
0x196: {  	v62 =	vcvt.s32.f32 v19;
	v9 =	vor.u32 v16, v9;
	v16 =	vmul.f32 v6, v7;
	v12 =	vld.idx.msk [tilespmem:v14+s5+$0x0], $0xffff  }
0x197: {  	vm6 =	vgt.s32 v21, $0x0;
	vm1 =	vgt.s32 v10, $0x0;
	v15 =	vtrunc.f32 v0;
	v17 =	vld.idx.msk [tilespmem:v13+s5+$0x0], $0xffff  }
0x198: {  	v10 =	vnsel vm1, $0x0, v10;
	v3 =	vsub.f32 v3, v62;
	v6 =	vsub.f32 v6, v16  }
0x199: {  	v11 =	vtrunc.f32 v2;
	v15 =	vcvt.f32.s32 v15;
	v10 =	vmin.u32 v10, $0xDE;
	v20 =	vld.idx.msk [tilespmem:v5+s5+$0x0], $0xffff  }
0x19a: {  	v11 =	vcvt.f32.s32 v11;
	v7 =	vsub.f32 v7, v16;
	v18 =	vsub.f32 v18, v6  }
0x19b: {  	v29 =	vshll.u32 v10, $0x3;
	v63 =	vcvt.s32.f32 v10;
	vm4 =	vgt.s32 v15, $0x0;
	v23 =	vld.idx.msk [tilespmem:v9+s5+$0x0], $0xffff  }
0x19c: {  	vm2 =	vgt.s32 v11, $0x0;
	v12 =	vmul.f32 v18, v12;
	v17 =	vmul.f32 v7, v17  }
0x19d: {  	v29 =	vand.u32 $0x400, v29;
	v15 =	vnsel vm4, $0x0, v15;
	v11 =	vnsel vm2, $0x0, v11  }
0x19e: {  	v15 =	vmin.u32 v15, $0xDE;
	v12 =	vadd.f32 v12, v17;
	v17 =	vmul.f32 v6, v20  }
0x19f: {  	v11 =	vmin.u32 v11, $0xDE;
	v27 =	vshll.u32 v15, $0x3;
	v30 =	vcvt.s32.f32 v15  }
0x1a0: {  	v41 =	vcvt.s32.f32 v11;
	v12 =	vadd.f32 v12, v17;
	v17 =	vmul.f32 v16, v23  }
0x1a1: {  	s19 =	sand.u32 $0x400, s25;
	s3 =	sshll.u32 s8, $0x7;
	v61 =	vshll.u32 v11, $0x3;
	v27 =	vand.u32 $0x400, v27;
	v44 =	vsub.f32 v0, v30  }
0x1a2: {  	s2 =	sor.u32 s3, s19;
	v45 =	vsub.f32 v2, v41;
	v20 =	vnsel vm6, $0x0, v21;
	v12 =	vadd.f32 v12, v17  }
0x1a3: {  	s11 =	sor.u32 s7, s2;
	v21 =	vnsel vm7, $0x0, v22;
	v22 =	vadd.s32 $0x1, v10;
	v20 =	vmin.u32 v20, $0xDE  }
0x1a4: {  	v21 =	vmin.u32 v21, $0xDE;
	v25 =	vshll.u32 v22, $0x3;
	v22 =	vand.u32 $0x7F, v22;
	[tilespmem:s11+$0x1E400] =	vst v12  }
0x1a5: {  	v23 =	vadd.s32 $0x1, v11;
	v28 =	vshll.u32 v20, $0x8;
	v31 =	vshll.u32 v21, $0x8;
	v14 =	vld.idx.msk [tilespmem:v14+s14+$0x0], $0xffff  }
0x1a6: {  	v40 =	vcvt.s32.f32 v20;
	v25 =	vand.u32 $0xC00, v25;
	v42 =	vcvt.s32.f32 v21;
	v13 =	vld.idx.msk [tilespmem:v13+s14+$0x0], $0xffff  }
0x1a7: {  	v11 =	vand.u32 $0x7F, v11;
	v43 =	vshll.u32 v21, $0x7;
	v21 =	vadd.s32 $0x1, v21  }
0x1a8: {  	v26 =	vshll.u32 v23, $0x3;
	v28 =	vand.u32 $0xF800, v28;
	v47 =	vand.u32 $0x7F, v23;
	v5 =	vld.idx.msk [tilespmem:v5+s14+$0x0], $0xffff  }
0x1a9: {  	v17 =	vadd.s32 $0x1, v15;
	v26 =	vand.u32 $0xC00, v26;
	v15 =	vand.u32 $0x7F, v15  }
0x1aa: {  	v30 =	vsub.f32 v4, v40;
	v8 =	vsub.f32 v8, v42;
	v24 =	vshll.u32 v17, $0x3;
	v9 =	vld.idx.msk [tilespmem:v9+s14+$0x0], $0xffff  }
0x1ab: {  	v12 =	vshll.u32 v19, $0x8;
	v14 =	vmul.f32 v18, v14;
	v7 =	vmul.f32 v7, v13  }
0x1ac: {  	v24 =	vand.u32 $0xC00, v24;
	v12 =	vand.u32 $0xF800, v12;
	v13 =	vand.u32 $0xF800, v31  }
0x1ad: {  	v18 =	vshll.u32 v19, $0x7;
	v5 =	vmul.f32 v6, v5;
	v7 =	vadd.f32 v14, v7  }
0x1ae: {  	v31 =	vand.u32 $0x400, v61;
	v6 =	vand.u32 $0x7F, v10;
	v14 =	vshll.u32 v20, $0x7  }
0x1af: {  	v5 =	vadd.f32 v7, v5;
	v7 =	vmul.f32 v9, v16;
	v9 =	vadd.s32 v24, v12  }
0x1b0: {  	v16 =	vor.u32 v15, v27;
	v15 =	vadd.s32 v25, v28;
	v27 =	vadd.s32 v26, v13  }
0x1b1: {  	v4 =	vor.u32 v12, v16;
	v10 =	vadd.f32 v5, v7;
	v5 =	vor.u32 v6, v29  }
0x1b2: {  	v6 =	vor.u32 v11, v31;
	v7 =	vand.u32 $0x380, v18;
	v11 =	vand.u32 $0x380, v14  }
0x1b3: {  	v18 =	vand.u32 $0x380, v43;
	v29 =	vadd.s32 $0x1, v19;
	v31 =	vadd.s32 $0x1, v20  }
0x1b4: {  	s29 =	simm.s32 $0x4;
	v0 =	vor.u32 v7, v9;
	v9 =	vsub.f32 v1, v63;
	v1 =	vor.u32 v11, v15  }
0x1b5: {  	s6 =	sand.u32 $0x4, s29;
	v2 =	vor.u32 v18, v27;
	v15 =	vor.u32 v28, v5;
	v27 =	vor.u32 v13, v6  }
0x1b6: {  	s21 =	smul.u32 $0xE0, s6;
	s15 =	simm.s32 $0x8;
	v28 =	vand.u32 $0x7F, v17;
	v17 =	vshll.u32 v29, $0x8;
	v46 =	vshll.u32 v31, $0x8  }
0x1b7: {  	s22 =	sand.u32 $0xF0, s15;
	v20 =	vor.u32 v7, v4;
	v13 =	vor.u32 v28, v0;
	v0 =	vshll.u32 v21, $0x8  }
0x1b8: {  	s2 =	sadd.s32 s22, s21;
	v12 =	vor.u32 v22, v1;
	v14 =	vor.u32 v47, v2;
	v19 =	vor.u32 v11, v15  }
0x1b9: {  	s28 =	sand.u32 $0x70, s15;
	s2 =	sand.u32 $0x780, s2;
	v15 =	vor.u32 v18, v27;
	v4 =	vand.u32 $0x1F800, v17;
	v7 =	vand.u32 $0x1F800, v46  }
0x1ba: {  	s2 =	sor.u32 s28, s2;
	v1 =	vshll.u32 v29, $0x7;
	v18 =	vshll.u32 v21, $0x7;
	v11 =	vand.u32 $0x1F800, v0  }
0x1bb: {  	v50 =	vld [tilespmem:s2+$0x1D500];
	v2 =	vshll.u32 v31, $0x7;
	v29 =	vand.u32 $0x380, v18;
	v6 =	vor.u32 v11, v6  }
0x1bc: {  	v0 =	vmul.f32 v3, v44;
	v16 =	vor.u32 v4, v16;
	v18 =	vor.u32 v29, v6;
	v6 =	vld.idx.msk [tilespmem:v20+s5+$0x0], $0xffff  }
0x1bd: {  	v23 =	vand.u32 $0x380, v1;
	v1 =	vor.u32 v7, v5;
	v5 =	vand.u32 $0x380, v2;
	v21 =	vld.idx.msk [tilespmem:v13+s5+$0x0], $0xffff  }
0x1be: {  	v2 =	vmul.f32 v8, v45;
	v24 =	vadd.s32 v24, v4;
	v17 =	vor.u32 v23, v16;
	v27 =	vld.idx.msk [tilespmem:v12+s5+$0x0], $0xffff  }
0x1bf: {  	v7 =	vadd.s32 v25, v7;
	v16 =	vor.u32 v5, v1;
	v11 =	vadd.s32 v26, v11;
	v31 =	vld.idx.msk [tilespmem:v14+s5+$0x0], $0xffff  }
0x1c0: {  	v23 =	vor.u32 v23, v24;
	v26 =	vsub.f32 $1.000000000e+00, v44;
	v4 =	vsub.f32 v3, v0;
	v25 =	vld.idx.msk [tilespmem:v19+s5+$0x0], $0xffff  }
0x1c1: {  	v1 =	vmul.f32 v30, v9;
	v7 =	vor.u32 v5, v7;
	v23 =	vor.u32 v28, v23;
	v24 =	vld.idx.msk [tilespmem:v15+s5+$0x0], $0xffff  }
0x1c2: {  	v5 =	vsub.f32 v8, v2;
	v8 =	vor.u32 v29, v11;
	v11 =	vsub.f32 v26, v4;
	v26 =	vld [tilespmem:s2+$0x1C700]  }
0x1c3: {  	s26 =	sor.u32 $0x1, s6;
	v29 =	vor.u32 v22, v7;
	v7 =	vsub.f32 $1.000000000e+00, v9;
	v3 =	vsub.f32 v30, v1;
	v48 =	vld.idx.msk [tilespmem:v17+s5+$0x0], $0xffff  }
0x1c4: {  	s24 =	smul.u32 $0xE0, s26;
	v32 =	vadd.f32 $1.000000000e+00, v50;
	v36 =	vsub.f32 $1.000000000e+00, v45;
	v30 =	vor.u32 v47, v8;
	v28 =	vld.idx.msk [tilespmem:v16+s5+$0x0], $0xffff  }
0x1c5: {  	v22 =	vsub.f32 v44, v0;
	v8 =	vsub.f32 v7, v3;
	v49 =	vld.idx.msk [tilespmem:v18+s5+$0x0], $0xffff  }
0x1c6: {  	s2 =	sadd.s32 s22, s24;
	v7 =	vsub.f32 v9, v1;
	v9 =	vsub.f32 v36, v5;
	v52 =	vld.idx.msk [tilespmem:v23+s5+$0x0], $0xffff;
	v51 =	vmul.f32 v11, v6  }
0x1c7: {  	s30 =	sor.u32 $0x3, s6;
	v56 =	vld [tilespmem:s2+$0x1D500];
	v6 =	vsub.f32 v45, v2;
	v21 =	vmul.f32 v22, v21;
	v25 =	vmul.f32 v8, v25  }
0x1c8: {  	s17 =	sor.u32 $0x2, s6;
	s18 =	smul.u32 $0xE0, s30;
	v53 =	vld.idx.msk [tilespmem:v29+s5+$0x0], $0xffff;
	v27 =	vmul.f32 v7, v27;
	v24 =	vmul.f32 v9, v24;
	v26 =	vadd.f32 $1.000000000e+00, v26  }
0x1c9: {  	s25 =	smul.u32 $0xE0, s17;
	v54 =	vld.idx.msk [tilespmem:v30+s5+$0x0], $0xffff;
	v31 =	vmul.f32 v6, v31;
	v21 =	vadd.f32 v51, v21;
	v34 =	vmul.f32 v4, v48  }
0x1ca: {  	s3 =	sadd.s32 s22, s18;
	v25 =	vadd.f32 v25, v27;
	v27 =	vld [tilespmem:s2+$0x1C700];
	v28 =	vmul.f32 v3, v28;
	v26 =	vmul.f32 $1.115000000e+02, v26  }
0x1cb: {  	s8 =	sadd.s32 s22, s25;
	v55 =	vld [tilespmem:s3+$0x1C700];
	v24 =	vadd.f32 v24, v31;
	v31 =	vmul.f32 v5, v49;
	v33 =	vmul.f32 v0, v52  }
0x1cc: {  	v34 =	vadd.f32 v21, v34;
	v21 =	vld [tilespmem:s8+$0x1C700];
	v39 =	vadd.f32 v25, v28;
	v28 =	vmul.f32 $1.115000000e+02, v32  }
0x1cd: {  	v32 =	vmul.f32 v1, v53;
	v25 =	vld [tilespmem:s8+$0x1D500];
	v31 =	vadd.f32 v24, v31;
	v24 =	vtrunc.f32 v26  }
0x1ce: {  	v59 =	vadd.f32 $1.000000000e+00, v56;
	v37 =	vmul.f32 v2, v54;
	v53 =	vld [tilespmem:s3+$0x1D500];
	v24 =	vcvt.f32.s32 v24  }
0x1cf: {  	v57 =	vtrunc.f32 v28;
	v33 =	vadd.f32 v34, v33;
	v27 =	vadd.f32 $1.000000000e+00, v27  }
0x1d0: {  	v32 =	vadd.f32 v39, v32;
	v36 =	vcvt.f32.s32 v57;
	v31 =	vadd.f32 v31, v37  }
0x1d1: {  	vm8 =	vgt.s32 v24, $0x0;
	v58 =	vadd.f32 $1.000000000e+00, v21;
	v21 =	vmul.f32 $1.115000000e+02, v27  }
0x1d2: {  	v27 =	vadd.f32 $1.000000000e+00, v55;
	v60 =	vnsel vm8, $0x0, v24;
	vm9 =	vgt.s32 v36, $0x0  }
0x1d3: {  	v61 =	vadd.f32 $1.000000000e+00, v25;
	v47 =	vadd.f32 $1.000000000e+00, v53;
	v36 =	vnsel vm9, $0x0, v36  }
0x1d4: {  	v38 =	vmin.u32 v60, $0xDE;
	v24 =	vmul.f32 $1.115000000e+02, v58;
	v25 =	vmin.u32 v36, $0xDE  }
0x1d5: {  	v62 =	vcvt.s32.f32 v38;
	v48 =	vand.u32 $0x7F, v38;
	v50 =	vadd.s32 $0x1, v38  }
0x1d6: {  	v38 =	vshll.u32 v38, $0x3;
	v63 =	vadd.s32 $0x1, v25;
	v49 =	vshll.u32 v25, $0x7  }
0x1d7: {  	v51 =	vshll.u32 v25, $0x8;
	v38 =	vand.u32 $0x400, v38;
	v52 =	vand.u32 $0x7F, v50  }
0x1d8: {  	v44 =	vshll.u32 v50, $0x3;
	v57 =	vcvt.s32.f32 v25;
	v25 =	vmul.f32 $1.115000000e+02, v27  }
0x1d9: {  	v27 =	vmul.f32 $1.115000000e+02, v61;
	v61 =	vtrunc.f32 v21;
	v45 =	vand.u32 $0xF800, v51  }
0x1da: {  	v38 =	vor.u32 v48, v38;
	v54 =	vand.u32 $0xC00, v44;
	v43 =	vand.u32 $0x380, v49  }
0x1db: {  	v56 =	vshll.u32 v63, $0x8;
	v36 =	vsub.f32 v26, v62;
	v26 =	vmul.f32 $1.115000000e+02, v47  }
0x1dc: {  	v41 =	vshll.u32 v63, $0x7;
	v62 =	vtrunc.f32 v24;
	v34 =	vcvt.f32.s32 v61  }
0x1dd: {  	v55 =	vor.u32 v45, v38;
	v45 =	vadd.s32 v54, v45;
	v41 =	vand.u32 $0x380, v41  }
0x1de: {  	v58 =	vsub.f32 v28, v57;
	v28 =	vmul.f32 $1.115000000e+02, v59;
	v57 =	vtrunc.f32 v27  }
0x1df: {  	v44 =	vor.u32 v43, v55;
	v43 =	vor.u32 v43, v45;
	v45 =	vand.u32 $0x1F800, v56  }
0x1e0: {  	v53 =	vsub.f32 $1.000000000e+00, v36;
	vm10 =	vgt.s32 v34, $0x0;
	v49 =	vcvt.f32.s32 v57  }
0x1e1: {  	v43 =	vor.u32 v52, v43;
	v38 =	vor.u32 v45, v38;
	v42 =	vadd.s32 v54, v45  }
0x1e2: {  	v54 =	vcvt.f32.s32 v62;
	v56 =	vtrunc.f32 v28;
	v34 =	vnsel vm10, $0x0, v34  }
0x1e3: {  	v38 =	vor.u32 v41, v38;
	v59 =	vor.u32 v41, v42;
	v41 =	vmul.f32 v58, v36  }
0x1e4: {  	v37 =	vcvt.f32.s32 v56;
	v34 =	vmin.u32 v34, $0xDE;
	vm14 =	vgt.s32 v49, $0x0  }
0x1e5: {  	v35 =	vor.u32 v52, v59;
	v52 =	vtrunc.f32 v25;
	v59 =	vtrunc.f32 v26;
	v60 =	vld.idx.msk [tilespmem:v44+s5+$0x0], $0xffff  }
0x1e6: {  	vm11 =	vgt.s32 v54, $0x0;
	v62 =	vnsel vm14, $0x0, v49;
	v49 =	vadd.s32 $0x1, v34;
	v63 =	vld.idx.msk [tilespmem:v43+s5+$0x0], $0xffff  }
0x1e7: {  	v45 =	vsub.f32 v58, v41;
	v47 =	vcvt.f32.s32 v52;
	v36 =	vsub.f32 v36, v41  }
0x1e8: {  	v39 =	vnsel vm11, $0x0, v54;
	vm13 =	vgt.s32 v37, $0x0;
	v51 =	vshll.u32 v49, $0x3;
	v55 =	vld.idx.msk [tilespmem:v38+s5+$0x0], $0xffff  }
0x1e9: {  	s16 =	sshll.u32 s9, $0x7;
	s8 =	simm.s32 $0x40;
	v39 =	vmin.u32 v39, $0xDE;
	v37 =	vnsel vm13, $0x0, v37;
	v48 =	vsub.f32 v53, v45  }
0x1ea: {  	s1 =	sshll.u32 s1, $0x7;
	s6 =	sshll.u32 s6, $0x7;
	s18 =	sand.u32 $0x400, s8;
	v51 =	vand.u32 $0xC00, v51;
	vm12 =	vgt.s32 v47, $0x0;
	v37 =	vmin.u32 v37, $0xDE;
	v58 =	vld.idx.msk [tilespmem:v35+s5+$0x0], $0xffff  }
0x1eb: {  	s22 =	sshll.u32 s10, $0x7;
	s24 =	sor.u32 s19, s1;
	s2 =	sor.u32 s6, s18;
	v57 =	vshll.u32 v39, $0x3;
	v40 =	vmul.f32 v48, v60;
	v46 =	vmul.f32 v36, v63  }
0x1ec: {  	s3 =	sor.u32 s19, s22;
	s21 =	sor.u32 s28, s2;
	s2 =	sor.u32 s19, s16;
	v47 =	vnsel vm12, $0x0, v47;
	v52 =	vshll.u32 v37, $0x8;
	v57 =	vand.u32 $0x400, v57  }
0x1ed: {  	s1 =	sor.u32 s7, s3;
	s16 =	sor.u32 s7, s2;
	s7 =	sor.u32 s7, s24;
	v47 =	vmin.u32 v47, $0xDE;
	v42 =	vmul.f32 v45, v55;
	v40 =	vadd.f32 v40, v46  }
0x1ee: {  	[tilespmem:s7+$0x1E400] =	vst v31;
	v31 =	vadd.s32 $0x1, v37;
	v50 =	vadd.s32 $0x1, v47;
	v60 =	vcvt.f32.s32 v59  }
0x1ef: {  	v54 =	vshll.u32 v50, $0x3;
	v61 =	vmul.f32 v41, v58;
	v40 =	vadd.f32 v40, v42  }
0x1f0: {  	v52 =	vand.u32 $0xF800, v52;
	v54 =	vand.u32 $0xC00, v54;
	vm15 =	vgt.s32 v60, $0x0  }
0x1f1: {  	v55 =	vshll.u32 v34, $0x3;
	v46 =	vnsel vm15, $0x0, v60;
	v40 =	vadd.f32 v40, v61  }
0x1f2: {  	v58 =	vcvt.s32.f32 v34;
	v55 =	vand.u32 $0x400, v55;
	v34 =	vand.u32 $0x7F, v34  }
0x1f3: {  	v60 =	vcvt.s32.f32 v37;
	v46 =	vmin.u32 v46, $0xDE;
	v55 =	vor.u32 v34, v55;
	[tilespmem:s21+$0x1E400] =	vst v40  }
0x1f4: {  	v34 =	vadd.s32 v51, v52;
	v42 =	vmin.u32 v62, $0xDE;
	v59 =	vshll.u32 v46, $0x8;
	v44 =	vld.idx.msk [tilespmem:v44+s14+$0x0], $0xffff  }
0x1f5: {  	v62 =	vcvt.s32.f32 v39;
	v63 =	vshll.u32 v46, $0x7;
	v58 =	vsub.f32 v21, v58;
	v43 =	vld.idx.msk [tilespmem:v43+s14+$0x0], $0xffff  }
0x1f6: {  	v60 =	vsub.f32 v28, v60;
	v56 =	vshll.u32 v42, $0x8;
	v59 =	vand.u32 $0xF800, v59;
	v38 =	vld.idx.msk [tilespmem:v38+s14+$0x0], $0xffff  }
0x1f7: {  	[tilespmem:s11+$0x1F400] =	vst v10;
	v61 =	vshll.u32 v47, $0x3;
	v56 =	vand.u32 $0xF800, v56;
	v10 =	vsub.f32 $1.000000000e+00, v58;
	v35 =	vld.idx.msk [tilespmem:v35+s14+$0x0], $0xffff  }
0x1f8: {  	v61 =	vand.u32 $0x400, v61;
	v40 =	vadd.s32 $0x1, v39;
	v39 =	vand.u32 $0x7F, v39  }
0x1f9: {  	[tilespmem:s16+$0x1E400] =	vst v33;
	v53 =	vshll.u32 v40, $0x3;
	v33 =	vor.u32 v39, v57;
	v39 =	vadd.s32 v54, v59  }
0x1fa: {  	v53 =	vand.u32 $0xC00, v53;
	v44 =	vmul.f32 v48, v44;
	v48 =	vcvt.s32.f32 v42  }
0x1fb: {  	v28 =	vor.u32 v56, v33;
	v36 =	vmul.f32 v36, v43;
	v43 =	vcvt.s32.f32 v47  }
0x1fc: {  	v38 =	vmul.f32 v45, v38;
	v35 =	vmul.f32 v35, v41;
	v41 =	vand.u32 $0x7F, v47  }
0x1fd: {  	v45 =	vshll.u32 v37, $0x7;
	v37 =	vadd.s32 $0x1, v42;
	v41 =	vor.u32 v41, v61  }
0x1fe: {  	[tilespmem:s1+$0x1E400] =	vst v32;
	v57 =	vld.idx.msk [tilespmem:v20+s14+$0x0], $0xffff;
	v32 =	vand.u32 $0x380, v45;
	v45 =	vand.u32 $0x380, v63;
	v63 =	vand.u32 $0x7F, v50  }
0x1ff: {  	v61 =	vld.idx.msk [tilespmem:v13+s14+$0x0], $0xffff;
	v36 =	vadd.f32 v44, v36;
	v44 =	vcvt.s32.f32 v46;
	v46 =	vadd.s32 $0x1, v46  }
0x200: {  	v13 =	vld.idx.msk [tilespmem:v19+s14+$0x0], $0xffff;
	v20 =	vor.u32 v32, v34;
	v43 =	vsub.f32 v25, v43;
	v19 =	vor.u32 v45, v39  }
0x201: {  	v36 =	vadd.f32 v36, v38;
	v38 =	vshll.u32 v42, $0x7;
	v42 =	vsub.f32 v24, v62  }
0x202: {  	v50 =	vshll.u32 v46, $0x8;
	v62 =	vsub.f32 v27, v48;
	v44 =	vsub.f32 v26, v44  }
0x203: {  	v12 =	vld.idx.msk [tilespmem:v12+s14+$0x0], $0xffff;
	v26 =	vor.u32 v52, v55;
	v52 =	vor.u32 v59, v41;
	v48 =	vshll.u32 v31, $0x8  }
0x204: {  	v15 =	vld.idx.msk [tilespmem:v15+s14+$0x0], $0xffff;
	v59 =	vand.u32 $0x7F, v40;
	v40 =	vand.u32 $0x1F800, v50;
	v38 =	vand.u32 $0x380, v38  }
0x205: {  	v14 =	vld.idx.msk [tilespmem:v14+s14+$0x0], $0xffff;
	v34 =	vor.u32 v32, v26;
	v26 =	vor.u32 v45, v52;
	v52 =	vshll.u32 v46, $0x7  }
0x206: {  	v21 =	vld.idx.msk [tilespmem:v17+s14+$0x0], $0xffff;
	v41 =	vor.u32 v40, v41;
	v36 =	vadd.f32 v36, v35;
	v35 =	vadd.s32 v53, v56  }
0x207: {  	v17 =	vld.idx.msk [tilespmem:v30+s14+$0x0], $0xffff;
	v56 =	vand.u32 $0x7F, v49;
	v49 =	vshll.u32 v37, $0x8;
	v28 =	vor.u32 v38, v28  }
0x208: {  	v37 =	vshll.u32 v37, $0x7;
	v32 =	vmul.f32 v62, v42;
	v27 =	vor.u32 v56, v20;
	v20 =	vld.idx.msk [tilespmem:v18+s14+$0x0], $0xffff  }
0x209: {  	v45 =	vand.u32 $0x380, v52;
	v24 =	vor.u32 v38, v35;
	v38 =	vand.u32 $0x1F800, v48;
	v18 =	vld.idx.msk [tilespmem:v23+s14+$0x0], $0xffff  }
0x20a: {  	v39 =	vand.u32 $0x1F800, v49;
	v25 =	vor.u32 v59, v24;
	v24 =	vor.u32 v63, v19;
	v19 =	vld.idx.msk [tilespmem:v16+s14+$0x0], $0xffff  }
0x20b: {  	v23 =	vshll.u32 v31, $0x7;
	v37 =	vand.u32 $0x380, v37;
	v16 =	vld.idx.msk [tilespmem:v29+s14+$0x0], $0xffff;
	v29 =	vor.u32 v38, v55  }
0x20c: {  	v30 =	vor.u32 v39, v33;
	v23 =	vand.u32 $0x380, v23;
	v49 =	vadd.s32 v53, v39;
	v50 =	vld.idx.msk [tilespmem:v34+s5+$0x0], $0xffff  }
0x20d: {  	v33 =	vor.u32 v23, v29;
	v30 =	vor.u32 v37, v30;
	v37 =	vor.u32 v37, v49;
	v49 =	vld.idx.msk [tilespmem:v26+s5+$0x0], $0xffff  }
0x20e: {  	v52 =	vadd.s32 v54, v40;
	v22 =	vmul.f32 v22, v61;
	v38 =	vadd.s32 v51, v38;
	v51 =	vld.idx.msk [tilespmem:v28+s5+$0x0], $0xffff  }
0x20f: {  	v35 =	vmul.f32 v60, v58;
	v31 =	vmul.f32 v44, v43;
	v29 =	vor.u32 v45, v41;
	v46 =	vld.idx.msk [tilespmem:v27+s5+$0x0], $0xffff  }
0x210: {  	v39 =	vsub.f32 v62, v32;
	v62 =	vor.u32 v45, v52;
	v55 =	vmul.f32 v11, v57;
	v47 =	vld.idx.msk [tilespmem:v25+s5+$0x0], $0xffff  }
0x211: {  	s25 =	sshll.u32 s26, $0x7;
	s26 =	sshll.u32 s17, $0x7;
	v41 =	vsub.f32 v60, v35;
	v23 =	vor.u32 v23, v38;
	v40 =	vsub.f32 v44, v31;
	v48 =	vld.idx.msk [tilespmem:v24+s5+$0x0], $0xffff  }
0x212: {  	s30 =	sshll.u32 s30, $0x7;
	s10 =	sshllo.u32 s13, $0x1;
	s3 =	sor.u32 s18, s26;
	[tilespmem:s21+$0x1F400] =	vst v36;
	v44 =	vsub.f32 $1.000000000e+00, v42;
	v60 =	vsub.f32 $1.000000000e+00, v43;
	v38 =	vor.u32 v56, v23;
	v52 =	vld.idx.msk [tilespmem:v33+s5+$0x0], $0xffff  }
0x213: {  	s9 =	sor.u32 s18, s30;
	s26 =	sor.u32 s28, s3;
	s2 =	sor.u32 s18, s25;
	v11 =	vsub.f32 v58, v35;
	v37 =	vor.u32 v59, v37;
	v10 =	vsub.f32 v10, v41;
	v53 =	vld.idx.msk [tilespmem:v30+s5+$0x0], $0xffff  }
0x214: {  	s11 =	sor.u32 s28, s9;
	s9 =	smul.u32 $0x700, s10;
	s19 =	sor.u32 s28, s2;
	v36 =	vor.u32 v63, v62;
	v45 =	vsub.f32 v44, v39;
	v44 =	vsub.f32 v60, v40;
	v54 =	vld.idx.msk [tilespmem:v29+s5+$0x0], $0xffff  }
.LBB2_6:
0x215: {  	s29 =	sadd.s32 $0x4, s29;
	v23 =	vmul.f32 v10, v50;
	v42 =	vsub.f32 v42, v32;
	v43 =	vsub.f32 v43, v31  }
0x216: {  	v50 =	vmul.f32 v45, v51;
	s17 =	sand.u32 $0x4, s29;
	v46 =	vmul.f32 v11, v46;
	v22 =	vadd.f32 v55, v22  }
0x217: {  	s15 =	sadd.s32 $0x8, s15;
	s2 =	smul.u32 $0xE0, s17;
	s3 =	sor.u32 $0x1, s17;
	v51 =	vld.idx.msk [tilespmem:v38+s5+$0x0], $0xffff;
	v47 =	vmul.f32 v42, v47;
	v48 =	vmul.f32 v43, v48  }
0x218: {  	s22 =	sand.u32 $0xF0, s15;
	v49 =	vmul.f32 v44, v49;
	s18 =	sor.u32 $0x2, s17;
	s24 =	sor.u32 $0x3, s17;
	v23 =	vadd.f32 v23, v46;
	v46 =	vmul.f32 v41, v52;
	v52 =	vld.idx.msk [tilespmem:v37+s5+$0x0], $0xffff  }
0x219: {  	v13 =	vmul.f32 v8, v13;
	s21 =	smul.u32 $0xE0, s3;
	s30 =	sshll.u32 s3, $0x7;
	s2 =	sadd.s32 s22, s2;
	v47 =	vadd.f32 v50, v47;
	v50 =	vmul.f32 v39, v53;
	v53 =	vld.idx.msk [tilespmem:v36+s5+$0x0], $0xffff  }
0x21a: {  	v8 =	vmovc v45;
	s28 =	sand.u32 $0x70, s15;
	s3 =	smul.u32 $0xE0, s18;
	s2 =	sand.u32 $0x780, s2;
	v23 =	vadd.f32 v23, v46;
	v46 =	vadd.f32 v49, v48;
	v48 =	vmul.f32 v40, v54  }
0x21b: {  	v12 =	vmul.f32 v7, v12;
	v9 =	vmul.f32 v9, v15;
	v7 =	vmovc v42;
	s6 =	smul.u32 $0xE0, s24;
	s25 =	sadd.s32 s22, s21;
	s2 =	sor.u32 s28, s2;
	v45 =	vadd.f32 v47, v50  }
0x21c: {  	v21 =	vmul.f32 v4, v21;
	v14 =	vmul.f32 v6, v14;
	v6 =	vmovc v43;
	s3 =	sadd.s32 s22, s3;
	s21 =	sshll.u32 s18, $0x7;
	s18 =	sshll.u32 s24, $0x7;
	v15 =	vld [tilespmem:s2+$0x1C700];
	v42 =	vadd.f32 v46, v48  }
0x21d: {  	v4 =	vmovc v41;
	p0 =	slt.u32 s29, $0x6C;
	v12 =	vadd.f32 v13, v12;
	v13 =	vmul.f32 v3, v19;
	v46 =	vmul.f32 v35, v51;
	v43 =	vld [tilespmem:s2+$0x1D500];
	s2 =	sadd.s32 s22, s6  }
0x21e: {  	v9 =	vadd.f32 v9, v14;
	v14 =	vmul.f32 v5, v20;
	v3 =	vmovc v39;
	v41 =	vmul.f32 v32, v52;
	v19 =	vld [tilespmem:s25+$0x1C700]  }
0x21f: {  	v5 =	vmovc v40;
	v21 =	vadd.f32 v22, v21;
	v23 =	vadd.f32 v23, v46;
	v39 =	vmul.f32 v31, v53;
	v20 =	vld [tilespmem:s3+$0x1C700]  }
0x220: {  	v18 =	vmul.f32 v18, v0;
	v0 =	vmovc v35;
	v12 =	vadd.f32 v12, v13;
	v22 =	vadd.f32 v45, v41;
	v40 =	vld [tilespmem:s2+$0x1C700]  }
0x221: {  	v16 =	vmul.f32 v16, v1;
	v1 =	vmovc v32;
	v13 =	vadd.f32 $1.000000000e+00, v15;
	v15 =	vld [tilespmem:s25+$0x1D500];
	[tilespmem:s19+$0x1E400] =	vst v23;
	v23 =	vadd.f32 v42, v39  }
0x222: {  	v41 =	vmul.f32 v17, v2;
	v2 =	vmovc v31;
	v39 =	vadd.f32 v9, v14;
	v32 =	vadd.f32 $1.000000000e+00, v43;
	v35 =	vld [tilespmem:s3+$0x1D500];
	[tilespmem:s26+$0x1E400] =	vst v22  }
0x223: {  	v17 =	vadd.f32 v21, v18;
	v9 =	vmovc v44;
	v42 =	vmul.f32 $1.115000000e+02, v13;
	v13 =	vadd.f32 $1.000000000e+00, v19;
	v14 =	vld [tilespmem:s2+$0x1D500];
	[tilespmem:s11+$0x1E400] =	vst v23  }
0x224: {  	v12 =	vadd.f32 v12, v16;
	v32 =	vmul.f32 $1.115000000e+02, v32;
	v18 =	vadd.f32 $1.000000000e+00, v20;
	v22 =	vld.idx.msk [tilespmem:v34+s14+$0x0], $0xffff  }
0x225: {  	v16 =	vtrunc.f32 v42;
	v31 =	vmul.f32 $1.115000000e+02, v13;
	v19 =	vadd.f32 $1.000000000e+00, v40;
	v23 =	vld.idx.msk [tilespmem:v27+s14+$0x0], $0xffff;
	[tilespmem:s16+$0x1F400] =	vst v17;
	s16 =	smov.u32 s19  }
0x226: {  	v16 =	vcvt.f32.s32 v16;
	v17 =	vtrunc.f32 v32;
	v20 =	vadd.f32 $1.000000000e+00, v15;
	v13 =	vld.idx.msk [tilespmem:v28+s14+$0x0], $0xffff;
	[tilespmem:s1+$0x1F400] =	vst v12;
	s1 =	smov.u32 s26  }
0x227: {  	v27 =	vmul.f32 $1.115000000e+02, v18;
	v17 =	vcvt.f32.s32 v17;
	v18 =	vadd.f32 $1.000000000e+00, v35;
	v12 =	vld.idx.msk [tilespmem:v25+s14+$0x0], $0xffff  }
0x228: {  	v25 =	vmul.f32 $1.115000000e+02, v19;
	vm0 =	vgt.s32 v16, $0x0;
	v19 =	vadd.f32 $1.000000000e+00, v14;
	v15 =	vld.idx.msk [tilespmem:v26+s14+$0x0], $0xffff  }
0x229: {  	v26 =	vmul.f32 $1.115000000e+02, v20;
	v16 =	vnsel vm0, $0x0, v16;
	vm0 =	vgt.s32 v17, $0x0;
	v14 =	vld.idx.msk [tilespmem:v24+s14+$0x0], $0xffff  }
0x22a: {  	v24 =	vmul.f32 $1.115000000e+02, v18;
	v16 =	vmin.u32 v16, $0xDE;
	v17 =	vnsel vm0, $0x0, v17;
	v21 =	vld.idx.msk [tilespmem:v33+s14+$0x0], $0xffff  }
0x22b: {  	v28 =	vmul.f32 $1.115000000e+02, v19;
	v33 =	vmin.u32 v17, $0xDE;
	v34 =	vcvt.s32.f32 v16;
	v19 =	vld.idx.msk [tilespmem:v30+s14+$0x0], $0xffff  }
0x22c: {  	v17 =	vand.u32 $0x7F, v16;
	v30 =	vadd.s32 $0x1, v33;
	v35 =	vshll.u32 v33, $0x7;
	v20 =	vld.idx.msk [tilespmem:v29+s14+$0x0], $0xffff  }
0x22d: {  	v29 =	vadd.s32 $0x1, v16;
	v40 =	vshll.u32 v33, $0x8;
	v16 =	vshll.u32 v16, $0x3;
	v18 =	vld.idx.msk [tilespmem:v38+s14+$0x0], $0xffff  }
0x22e: {  	v38 =	vand.u32 $0x400, v16;
	v43 =	vand.u32 $0x7F, v29;
	v29 =	vshll.u32 v29, $0x3;
	v16 =	vld.idx.msk [tilespmem:v37+s14+$0x0], $0xffff  }
0x22f: {  	v37 =	vand.u32 $0xF800, v40;
	v38 =	vor.u32 v17, v38;
	v29 =	vand.u32 $0xC00, v29;
	v17 =	vld.idx.msk [tilespmem:v36+s14+$0x0], $0xffff  }
0x230: {  	v35 =	vand.u32 $0x380, v35;
	v36 =	vor.u32 v37, v38;
	v37 =	vadd.s32 v29, v37  }
0x231: {  	v36 =	vor.u32 v35, v36;
	v35 =	vor.u32 v35, v37;
	v37 =	vshll.u32 v30, $0x8  }
0x232: {  	v30 =	vshll.u32 v30, $0x7;
	v35 =	vor.u32 v43, v35;
	v37 =	vand.u32 $0x1F800, v37  }
0x233: {  	v33 =	vcvt.s32.f32 v33;
	v30 =	vand.u32 $0x380, v30;
	v38 =	vor.u32 v37, v38  }
0x234: {  	v29 =	vadd.s32 v29, v37;
	v37 =	vtrunc.f32 v31;
	v38 =	vor.u32 v30, v38  }
0x235: {  	v34 =	vsub.f32 v42, v34;
	v32 =	vsub.f32 v32, v33;
	v29 =	vor.u32 v30, v29  }
0x236: {  	v33 =	vtrunc.f32 v27;
	v40 =	vtrunc.f32 v25;
	v29 =	vor.u32 v43, v29;
	v30 =	vld.idx.msk [tilespmem:v36+s5+$0x0], $0xffff  }
0x237: {  	v39 =	vadd.f32 v39, v41;
	v42 =	vmul.f32 v32, v34;
	v37 =	vcvt.f32.s32 v37;
	v43 =	vld.idx.msk [tilespmem:v35+s5+$0x0], $0xffff  }
0x238: {  	v33 =	vcvt.f32.s32 v33;
	v40 =	vcvt.f32.s32 v40  }
0x239: {  	v45 =	vtrunc.f32 v26;
	v41 =	vsub.f32 $1.000000000e+00, v34;
	v32 =	vsub.f32 v32, v42;
	v44 =	vld.idx.msk [tilespmem:v38+s5+$0x0], $0xffff;
	[tilespmem:s7+$0x1F400] =	vst v39;
	s7 =	smov.u32 s11  }
0x23a: {  	v46 =	vtrunc.f32 v28;
	vm0 =	vgt.s32 v37, $0x0;
	v39 =	vtrunc.f32 v24  }
0x23b: {  	v45 =	vcvt.f32.s32 v45;
	v34 =	vsub.f32 v34, v42;
	v41 =	vsub.f32 v41, v32;
	v47 =	vld.idx.msk [tilespmem:v29+s5+$0x0], $0xffff  }
0x23c: {  	v46 =	vcvt.f32.s32 v46;
	vm1 =	vgt.s32 v33, $0x0;
	v39 =	vcvt.f32.s32 v39  }
0x23d: {  	vm2 =	vgt.s32 v40, $0x0;
	v30 =	vmul.f32 v41, v30;
	v43 =	vmul.f32 v34, v43  }
0x23e: {  	v33 =	vnsel vm1, $0x0, v33;
	v40 =	vnsel vm2, $0x0, v40;
	v37 =	vnsel vm0, $0x0, v37  }
0x23f: {  	vm0 =	vgt.s32 v45, $0x0;
	v30 =	vadd.f32 v30, v43;
	v43 =	vmul.f32 v32, v44  }
0x240: {  	vm2 =	vgt.s32 v46, $0x0;
	v37 =	vmin.u32 v37, $0xDE;
	vm1 =	vgt.s32 v39, $0x0  }
0x241: {  	s8 =	sadd.s32 $0x40, s8;
	v33 =	vmin.u32 v33, $0xDE;
	v30 =	vadd.f32 v30, v43;
	v43 =	vmul.f32 v42, v47  }
0x242: {  	s3 =	sshll.u32 s17, $0x7;
	s2 =	sand.u32 $0x400, s8;
	v40 =	vmin.u32 v40, $0xDE;
	v39 =	vnsel vm1, $0x0, v39;
	v44 =	vnsel vm0, $0x0, v45  }
0x243: {  	s3 =	sor.u32 s3, s2;
	s6 =	sor.u32 s2, s30;
	s11 =	sor.u32 s2, s21;
	v45 =	vadd.s32 $0x1, v37;
	v30 =	vadd.f32 v30, v43;
	v43 =	vnsel vm2, $0x0, v46  }
0x244: {  	s17 =	sor.u32 s28, s3;
	s19 =	sor.u32 s28, s6;
	s2 =	sor.u32 s2, s18;
	v44 =	vmin.u32 v44, $0xDE;
	v47 =	vadd.s32 $0x1, v40;
	v46 =	vadd.s32 $0x1, v33  }
0x245: {  	s26 =	sor.u32 s28, s11;
	s11 =	sor.u32 s28, s2;
	v39 =	vmin.u32 v39, $0xDE;
	v43 =	vmin.u32 v43, $0xDE;
	[tilespmem:s17+$0x1E400] =	vst v30;
	v30 =	vshll.u32 v45, $0x3  }
0x246: {  	v48 =	vshll.u32 v44, $0x8;
	v50 =	vshll.u32 v47, $0x3;
	v49 =	vshll.u32 v46, $0x3;
	v36 =	vld.idx.msk [tilespmem:v36+s14+$0x0], $0xffff  }
0x247: {  	v53 =	vshll.u32 v33, $0x3;
	v51 =	vshll.u32 v37, $0x3;
	v52 =	vshll.u32 v39, $0x8;
	v35 =	vld.idx.msk [tilespmem:v35+s14+$0x0], $0xffff  }
0x248: {  	v56 =	vshll.u32 v40, $0x3;
	v54 =	vcvt.s32.f32 v37;
	v55 =	vshll.u32 v43, $0x8  }
0x249: {  	v57 =	vcvt.s32.f32 v44;
	v58 =	vand.u32 $0xC00, v30;
	v30 =	vcvt.s32.f32 v33;
	v38 =	vld.idx.msk [tilespmem:v38+s14+$0x0], $0xffff  }
0x24a: {  	v60 =	vcvt.s32.f32 v40;
	v59 =	vcvt.s32.f32 v39;
	v49 =	vand.u32 $0xC00, v49  }
0x24b: {  	v48 =	vand.u32 $0xF800, v48;
	v62 =	vand.u32 $0xC00, v50;
	v61 =	vcvt.s32.f32 v43;
	v29 =	vld.idx.msk [tilespmem:v29+s14+$0x0], $0xffff  }
0x24c: {  	v50 =	vand.u32 $0x400, v51;
	v51 =	vand.u32 $0xF800, v52;
	v52 =	vand.u32 $0x400, v53  }
0x24d: {  	v36 =	vmul.f32 v41, v36;
	v34 =	vmul.f32 v34, v35;
	v35 =	vand.u32 $0xF800, v55  }
0x24e: {  	v37 =	vand.u32 $0x7F, v37;
	v53 =	vand.u32 $0x400, v56;
	v41 =	vshll.u32 v44, $0x7  }
0x24f: {  	v33 =	vand.u32 $0x7F, v33;
	v34 =	vadd.f32 v36, v34;
	v32 =	vmul.f32 v32, v38  }
0x250: {  	v36 =	vshll.u32 v39, $0x7;
	v38 =	vand.u32 $0x7F, v40;
	v40 =	vshll.u32 v43, $0x7  }
0x251: {  	v32 =	vadd.f32 v34, v32;
	v29 =	vmul.f32 v29, v42;
	v34 =	vadd.s32 v58, v48  }
0x252: {  	v37 =	vor.u32 v37, v50;
	v50 =	vadd.s32 v49, v51;
	v55 =	vadd.s32 v62, v35  }
0x253: {  	v33 =	vor.u32 v33, v52;
	v38 =	vor.u32 v38, v53;
	v29 =	vadd.f32 v32, v29  }
0x254: {  	v36 =	vand.u32 $0x380, v36;
	v40 =	vand.u32 $0x380, v40;
	v32 =	vand.u32 $0x380, v41  }
0x255: {  	v39 =	vadd.s32 $0x1, v39;
	v41 =	vadd.s32 $0x1, v43;
	[tilespmem:s17+$0x1F400] =	vst v29;
	v29 =	vadd.s32 $0x1, v44  }
0x256: {  	v56 =	vsub.f32 v31, v54;
	v44 =	vsub.f32 v26, v57;
	v26 =	vor.u32 v32, v34  }
0x257: {  	v52 =	vsub.f32 v24, v59;
	v42 =	vsub.f32 v27, v30;
	v24 =	vor.u32 v36, v50  }
0x258: {  	v53 =	vsub.f32 v28, v61;
	v28 =	vor.u32 v40, v55;
	v43 =	vsub.f32 v25, v60  }
0x259: {  	v31 =	vor.u32 v51, v33;
	v30 =	vor.u32 v48, v37;
	v35 =	vor.u32 v35, v38  }
0x25a: {  	v54 =	vand.u32 $0x7F, v46;
	v45 =	vand.u32 $0x7F, v45;
	v48 =	vshll.u32 v29, $0x8  }
0x25b: {  	v46 =	vshll.u32 v39, $0x8;
	v55 =	vand.u32 $0x7F, v47;
	v47 =	vshll.u32 v41, $0x8  }
0x25c: {  	v25 =	vor.u32 v54, v24;
	v24 =	vor.u32 v55, v28;
	v27 =	vor.u32 v45, v26  }
0x25d: {  	v28 =	vor.u32 v36, v31;
	v34 =	vor.u32 v32, v30;
	v26 =	vor.u32 v40, v35  }
0x25e: {  	v51 =	vand.u32 $0x1F800, v47;
	v40 =	vand.u32 $0x1F800, v46;
	v36 =	vand.u32 $0x1F800, v48  }
0x25f: {  	v30 =	vshll.u32 v39, $0x7;
	v39 =	vshll.u32 v41, $0x7;
	v29 =	vshll.u32 v29, $0x7  }
0x260: {  	v32 =	vmul.f32 v52, v42;
	v35 =	vmul.f32 v44, v56;
	v37 =	vor.u32 v36, v37  }
0x261: {  	v31 =	vmul.f32 v53, v43;
	v38 =	vor.u32 v51, v38;
	v41 =	vor.u32 v40, v33;
	v46 =	vld.idx.msk [tilespmem:v27+s5+$0x0], $0xffff  }
0x262: {  	v59 =	vand.u32 $0x380, v30;
	v60 =	vand.u32 $0x380, v39;
	v57 =	vand.u32 $0x380, v29;
	v47 =	vld.idx.msk [tilespmem:v25+s5+$0x0], $0xffff  }
0x263: {  	v29 =	vor.u32 v60, v38;
	v30 =	vor.u32 v59, v41;
	v33 =	vor.u32 v57, v37;
	v48 =	vld.idx.msk [tilespmem:v24+s5+$0x0], $0xffff  }
0x264: {  	v38 =	vadd.s32 v62, v51;
	v36 =	vadd.s32 v58, v36;
	v37 =	vadd.s32 v49, v40;
	v50 =	vld.idx.msk [tilespmem:v34+s5+$0x0], $0xffff  }
0x265: {  	v39 =	vsub.f32 v52, v32;
	v41 =	vsub.f32 v44, v35;
	v36 =	vor.u32 v57, v36;
	v51 =	vld.idx.msk [tilespmem:v28+s5+$0x0], $0xffff  }
.Ltmp5:
0x266: {  	v44 =	vsub.f32 $1.000000000e+00, v56;
	v40 =	vsub.f32 v53, v31;
	v37 =	vor.u32 v59, v37;
	v49 =	vld.idx.msk [tilespmem:v26+s5+$0x0], $0xffff;
	(pc) =	sbr.rel @p0 .LBB2_6-.Ltmp5, $4  }
0x267: {  	v58 =	vor.u32 v60, v38;
	v53 =	vsub.f32 $1.000000000e+00, v42;
	v57 =	vsub.f32 $1.000000000e+00, v43  }
0x268: {  	v38 =	vor.u32 v45, v36;
	v36 =	vor.u32 v55, v58;
	v37 =	vor.u32 v54, v37;
	v52 =	vld.idx.msk [tilespmem:v33+s5+$0x0], $0xffff  }
0x269: {  	v55 =	vmul.f32 v10, v22;
	v45 =	vsub.f32 v53, v39;
	v10 =	vsub.f32 v44, v41;
	v53 =	vld.idx.msk [tilespmem:v30+s5+$0x0], $0xffff  }
0x26a: {  	v22 =	vmul.f32 v11, v23;
	v11 =	vsub.f32 v56, v35;
	v44 =	vsub.f32 v57, v40;
	v54 =	vld.idx.msk [tilespmem:v29+s5+$0x0], $0xffff  }
0x26b: {  	_ =	sdelay $0x3  }
0x26c: {  	v61 =	vld.idx.msk [tilespmem:v38+s5+$0x0], $0xffff  }
0x26d: {  	v50 =	vmul.f32 v10, v50;
	v46 =	vmul.f32 v11, v46;
	_ =	sdelay $0x1  }
0x26e: {  	v23 =	vsub.f32 v42, v32;
	v62 =	vmul.f32 v41, v52;
	v46 =	vadd.f32 v50, v46  }
0x26f: {  	v43 =	vsub.f32 v43, v31;
	v51 =	vmul.f32 v45, v51;
	v56 =	vld.idx.msk [tilespmem:v37+s5+$0x0], $0xffff  }
0x270: {  	v47 =	vmul.f32 v23, v47;
	v46 =	vadd.f32 v46, v62;
	v42 =	vmul.f32 v35, v61  }
0x271: {  	v63 =	vld.idx.msk [tilespmem:v36+s5+$0x0], $0xffff;
	v49 =	vmul.f32 v44, v49;
	v48 =	vmul.f32 v43, v48  }
0x272: {  	v57 =	vmul.f32 v39, v53;
	v47 =	vadd.f32 v51, v47;
	v42 =	vadd.f32 v46, v42  }
0x273: {  	v48 =	vadd.f32 v49, v48  }
0x274: {  	v58 =	vmul.f32 v40, v54;
	v59 =	vmul.f32 v32, v56;
	v47 =	vadd.f32 v47, v57;
	[tilespmem:s19+$0x1E400] =	vst v42  }
0x275: {  	v34 =	vld.idx.msk [tilespmem:v34+s14+$0x0], $0xffff  }
0x276: {  	v61 =	vmul.f32 v31, v63;
	v60 =	vadd.f32 v48, v58;
	v47 =	vadd.f32 v47, v59;
	v27 =	vld.idx.msk [tilespmem:v27+s14+$0x0], $0xffff  }
0x277: {  	v42 =	vld.idx.msk [tilespmem:v33+s14+$0x0], $0xffff  }
0x278: {  	v8 =	vmul.f32 v8, v13;
	v62 =	vadd.f32 v60, v61;
	[tilespmem:s26+$0x1E400] =	vst v47;
	v48 =	vld.idx.msk [tilespmem:v38+s14+$0x0], $0xffff  }
0x279: {  	v7 =	vmul.f32 v7, v12;
	v9 =	vmul.f32 v9, v15;
	v28 =	vld.idx.msk [tilespmem:v28+s14+$0x0], $0xffff  }
0x27a: {  	v6 =	vmul.f32 v6, v14;
	v4 =	vmul.f32 v4, v21;
	[tilespmem:s11+$0x1E400] =	vst v62;
	v25 =	vld.idx.msk [tilespmem:v25+s14+$0x0], $0xffff  }
0x27b: {  	v3 =	vmul.f32 v3, v19;
	v5 =	vmul.f32 v5, v20;
	v22 =	vadd.f32 v55, v22;
	v63 =	vld.idx.msk [tilespmem:v26+s14+$0x0], $0xffff  }
0x27c: {  	v0 =	vmul.f32 v18, v0;
	v7 =	vadd.f32 v8, v7;
	v6 =	vadd.f32 v9, v6;
	v26 =	vld.idx.msk [tilespmem:v24+s14+$0x0], $0xffff  }
0x27d: {  	v1 =	vmul.f32 v16, v1;
	v2 =	vmul.f32 v17, v2;
	v4 =	vadd.f32 v22, v4;
	v46 =	vld.idx.msk [tilespmem:v30+s14+$0x0], $0xffff  }
0x27e: {  	v3 =	vadd.f32 v7, v3;
	v5 =	vadd.f32 v6, v5;
	v47 =	vld.idx.msk [tilespmem:v29+s14+$0x0], $0xffff;
	v49 =	vmul.f32 v10, v34  }
0x27f: {  	v0 =	vadd.f32 v4, v0;
	v51 =	vld.idx.msk [tilespmem:v37+s14+$0x0], $0xffff;
	v50 =	vmul.f32 v11, v27;
	v8 =	vmul.f32 v41, v42  }
0x280: {  	v1 =	vadd.f32 v3, v1;
	v54 =	vld.idx.msk [tilespmem:v36+s14+$0x0], $0xffff;
	v52 =	vmul.f32 v45, v28;
	v53 =	vmul.f32 v23, v25  }
0x281: {  	v12 =	vmul.f32 v44, v63;
	v14 =	vmul.f32 v43, v26;
	v55 =	vadd.f32 v49, v50  }
0x282: {  	v7 =	vmul.f32 v48, v35;
	v9 =	vmul.f32 v39, v46;
	v56 =	vadd.f32 v52, v53  }
0x283: {  	v58 =	vmul.f32 v40, v47;
	v57 =	vadd.f32 v12, v14;
	v3 =	vadd.f32 v55, v8  }
0x284: {  	[tilespmem:s16+$0x1F400] =	vst v0;
	v59 =	vadd.f32 v5, v2;
	v61 =	vmul.f32 v51, v32;
	v60 =	vadd.f32 v56, v9  }
0x285: {  	[tilespmem:s1+$0x1F400] =	vst v1;
	v4 =	vmul.f32 v54, v31;
	v62 =	vadd.f32 v57, v58;
	v3 =	vadd.f32 v3, v7  }
0x286: {  	s29 =	sshll.u32 s10, $0xB;
	[tilespmem:s7+$0x1F400] =	vst v59;
	v63 =	vadd.f32 v60, v61  }
0x287: {  	s2 =	sadd.s32 s31, s29;
	v1 =	vadd.f32 v62, v4;
	[tilespmem:s19+$0x1F400] =	vst v3  }
.Ltmp6:
0x288: {  	s2 =	sshrl.u32 s2, $0x3;
	s1 =	sadd.s32 s0, s29;
	[tilespmem:s26+$0x1F400] =	vst v63;
	(pc) =	sbr.rel @p1 .LBB2_9-.Ltmp6, $4  }
0x289: {  	s3 =	simm.s32 $0x1E400;
	s2 =	sadd.s32 s4, s2;
	s1 =	sshrl.u32 s1, $0x3;
	[tilespmem:s11+$0x1F400] =	vst v1  }
0x28a: {  	[hbm4b:s2+s5] =	stream.linear.scatter [tilespmem:s3], [sflag:$0x5], $0x800, $0x38;
	[tilespmem:$0x1FC00] =	vst v63  }
0x28b: {  	s30 =	simm.s32 $0x1F400;
	s1 =	sadd.s32 s4, s1  }
0x28c: {  	[hbm4b:s1+s5] =	stream.linear.scatter [tilespmem:s30], [sflag:$0x5], $0x800, $0x38;
	[tilespmem:$0x1FC00] =	vst v63  }
0x28d: {  	s1 =	rddreg [dreg:$0x9]  }
0x28e: {  	s1 =	sadd.s32 s9, s1  }
.Ltmp7:
0x28f: {  	s1 =	sshrl.u32 s1, $0x3;
	(pc) =	sbr.rel .LBB2_3-.Ltmp7, $4  }
0x290: {  	s3 =	simm.s32 $0x1C700;
	s29 =	rddreg [dreg:$0x1];
	s2 =	sadd.s32 s12, s1  }
0x291: {  	[tilespmem:s3], [sflag:$0x3] =	stream.linear.gather [hbm4b:s2+s5], $0x700, $0x38;
	[tilespmem:$0x1FC00] =	vst v63  }
0x292: {  	s30 =	simm.s32 $0x1D500;
	s13 =	sadd.s32 $0x1, s13;
	s1 =	sadd.s32 s29, s1  }
0x293: {  	[tilespmem:s30], [sflag:$0x3] =	stream.linear.gather [hbm4b:s1+s5], $0x700, $0x38;
	[tilespmem:$0x1FC00] =	vst v63  }
.LBB2_11:
0x294: {  	_ =	sfence.sel $0x180000  }
0x295: {  	[bflag:$0x0] =	sbarrier.arrive $0xFFFF  }
0x296: {  	_ =	strace $0x90000047  }
0x297: {  	s0 =	stileid.u32;
	[bflag:$0x2] =	sbarrier.arrive $0xFFFF  }
0x298: {  	p0 =	sne.s32 s0, $0x0;
	s0 =	rddreg [dreg:$0x3]  }
0x299: {  	s0 =	sadd.s32 @!p0 $0x100000, s0  }
0x29a: {  	[sflag:s0] =	ssyncadd.tile.s32 @!p0 $0x1;
	_ =	shalt  }
.Lfunc_end2:
_tile_overlayer_lowered:
.L_overlay_start_2:
0x29b: {  	(tag) =	ssettag $0x2  }
0x29c: {  	s0 =	rddreg [dreg:$0x0];
	s2 =	stileid.u32  }
0x29d: {  	s1 =	rddreg [dreg:$0x1];
	p0 =	sne.s32 s2, $0x0  }
0x29e: {  	s3 =	rddreg [dreg:$0x2];
	[bflag:$0x3] =	sbarrier.arrive $0xFFFF;
	s2 =	simm.s32 @!p0 $0x1C06  }
0x29f: {  	[timem:s3], [sflag:s2] =	dma.local @!p0 [hbm:s0], s1  }
0x2a0: {  	s0 =	simm.s32 @!p0 $0x6  }
0x2a1: {  	_ =	swait.ge @!p0 [sflag:s0], s1  }
0x2a2: {  	s1 =	ssub.s32 @!p0 $0x0, s1;
	[sflag:s0] =	ssyncset.done @!p0 $0x0  }
0x2a3: {  	[sflag:s0] =	ssyncadd.s32 @!p0 s1  }
0x2a4: {  	[bflag:$0x3] =	sbarrier.arrive $0xFFFF  }
0x2a5: {  	_ =	shalt  }

</sc_bundles>
